<compile_context>
chip_gen: v7x
topology: tpu7x:2x2x1
jax: 0.10.2.dev20260603
libtpu: 0.0.44.dev20260713+nightly
codegen_flags: <defaults>
</compile_context>

<pallas_src>
import functools

import jax
import jax.numpy as jnp
from jax import lax
from jax.experimental import pallas as pl
from jax.experimental.pallas import tpu as pltpu, tpu_sc as plsc

ROLE_CAD, ROLE_EMB = 13, 8
RACE_CAD, RACE_EMB = 5, 4
GEND_CAD, GEND_EMB = 3, 2
ALIGN_CAD, ALIGN_EMB = 3, 2
B = 16384
D = ROLE_EMB + RACE_EMB + GEND_EMB + ALIGN_EMB

NC, NS, L = 2, 16, 16
NW = NC * NS
BPW = B // NW
CHUNKS = BPW // L

TAB_ROWS, TAB_COLS = 16, 128
FLAT_LEN = TAB_ROWS * TAB_COLS


def _hero_body(role_h, race_h, gend_h, align_h, tab_h, out_h,
               flat_v, ri_v, ci_v, gi_v, ai_v, out_v):
    wid = lax.axis_index("s") * NC + lax.axis_index("c")
    base = wid * BPW

    pltpu.sync_copy(tab_h, flat_v)
    pltpu.sync_copy(role_h.at[pl.ds(base, BPW)], ri_v)
    pltpu.sync_copy(race_h.at[pl.ds(base, BPW)], ci_v)
    pltpu.sync_copy(gend_h.at[pl.ds(base, BPW)], gi_v)
    pltpu.sync_copy(align_h.at[pl.ds(base, BPW)], ai_v)

    lane = lax.iota(jnp.int32, L)

    @plsc.parallel_loop(0, CHUNKS, step=1, unroll=4)
    def chunk_body(k):
        e0 = k * L
        r = ri_v[pl.ds(e0, L)]
        c = ci_v[pl.ds(e0, L)]
        g = gi_v[pl.ds(e0, L)]
        a = ai_v[pl.ds(e0, L)]
        a = jnp.minimum(jnp.maximum(a + 1, 0), ALIGN_CAD - 1)
        r = r * TAB_COLS
        c = c * TAB_COLS
        g = g * TAB_COLS
        a = a * TAB_COLS
        for col in range(D):
            if col < ROLE_EMB:
                idx = r
            elif col < ROLE_EMB + RACE_EMB:
                idx = c
            elif col < ROLE_EMB + RACE_EMB + GEND_EMB:
                idx = g
            else:
                idx = a
            vals = plsc.load_gather(flat_v, [idx + col])
            out_v[col, pl.ds(e0, L)] = vals

    pltpu.sync_copy(out_v, out_h.at[:, pl.ds(base, BPW)])


_hero = functools.partial(
    pl.kernel,
    out_type=jax.ShapeDtypeStruct((D, B), jnp.float32),
    mesh=plsc.VectorSubcoreMesh(core_axis_name="c", subcore_axis_name="s"),
    compiler_params=pltpu.CompilerParams(needs_layout_passes=False),
    scratch_types=[
        pltpu.VMEM((FLAT_LEN,), jnp.float32),
        pltpu.VMEM((BPW,), jnp.int32),
        pltpu.VMEM((BPW,), jnp.int32),
        pltpu.VMEM((BPW,), jnp.int32),
        pltpu.VMEM((BPW,), jnp.int32),
        pltpu.VMEM((D, BPW), jnp.float32),
    ],
)(_hero_body)


def kernel(role, race, gend, align, role_table, race_table, gend_table,
           align_table):
    tab2d = jnp.zeros((TAB_ROWS, TAB_COLS), jnp.float32)
    tab2d = lax.dynamic_update_slice(tab2d, role_table, (0, 0))
    tab2d = lax.dynamic_update_slice(tab2d, race_table, (0, ROLE_EMB))
    tab2d = lax.dynamic_update_slice(tab2d, gend_table,
                                     (0, ROLE_EMB + RACE_EMB))
    tab2d = lax.dynamic_update_slice(tab2d, align_table,
                                     (0, ROLE_EMB + RACE_EMB + GEND_EMB))
    tables = tab2d.reshape(-1)
    out_cm = _hero(role.astype(jnp.int32), race.astype(jnp.int32),
                   gend.astype(jnp.int32), align.astype(jnp.int32), tables)
    return out_cm.T

# --- scband reference (transcript-rebuilt; emitter-appended) ---
"""Pipeline reference for scband-hero-embedding-23407571763351 (READ-ONLY COPY).

The authoritative reference and input builder live on the scoring server;
editing this copy changes nothing except your own understanding.
"""

import jax, jax.numpy as jnp
import numpy as np

ROLE_CAD, ROLE_EMB = 13, 8
RACE_CAD, RACE_EMB = 5, 4
GEND_CAD, GEND_EMB = 3, 2
ALIGN_CAD, ALIGN_EMB = 3, 2
B = 16384


def setup_inputs(seed: int = 0) -> dict:
    key = jax.random.key(seed)
    k_role, k_race, k_gend, k_align, k_w1, k_w2, k_w3, k_w4 = jax.random.split(key, 8)
    role = jax.random.randint(k_role, (B,), 0, ROLE_CAD, dtype=jnp.int64 if jax.config.jax_enable_x64 else jnp.int32)
    race = jax.random.randint(k_race, (B,), 0, RACE_CAD, dtype=role.dtype)
    gend = jax.random.randint(k_gend, (B,), 0, GEND_CAD, dtype=role.dtype)
    align = jax.random.randint(k_align, (B,), 0, 2, dtype=role.dtype)
    role_table = jax.random.normal(k_w1, (ROLE_CAD, ROLE_EMB), dtype=jnp.float32)
    race_table = jax.random.normal(k_w2, (RACE_CAD, RACE_EMB), dtype=jnp.float32)
    gend_table = jax.random.normal(k_w3, (GEND_CAD, GEND_EMB), dtype=jnp.float32)
    align_table = jax.random.normal(k_w4, (ALIGN_CAD, ALIGN_EMB), dtype=jnp.float32)
    return {
        "role": role,
        "race": race,
        "gend": gend,
        "align": align,
        "role_table": role_table,
        "race_table": race_table,
        "gend_table": gend_table,
        "align_table": align_table,
    }


def reference(role, race, gend, align, role_table, race_table, gend_table, align_table):
    role_emb = jnp.take(role_table, role, axis=0)
    race_emb = jnp.take(race_table, race, axis=0)
    gend_emb = jnp.take(gend_table, gend, axis=0)
    align_idx = jnp.clip(align + 1, 0, ALIGN_CAD - 1)
    align_emb = jnp.take(align_table, align_idx, axis=0)
    hero_vec = jnp.concatenate([role_emb, race_emb, gend_emb, align_emb], axis=-1)
    return hero_vec

if __name__ == "__main__":
    import jax
    _d = setup_inputs()
    print(jax.jit(kernel)(*tuple(_d.values())))

</pallas_src>

<mosaic_0001>
#map = affine_map<(d0, d1) -> (0)>
#map1 = affine_map<(d0, d1) -> (0, 0)>
module attributes {stable_mosaic.version = 14 : i64} {
  func.func @_hero_body(%arg0: i32, %arg1: i32, %arg2: memref<16384xi32, #tpu.memory_space<hbm>>, %arg3: memref<16384xi32, #tpu.memory_space<hbm>>, %arg4: memref<16384xi32, #tpu.memory_space<hbm>>, %arg5: memref<16384xi32, #tpu.memory_space<hbm>>, %arg6: memref<2048xf32, #tpu.memory_space<hbm>>, %arg7: memref<16x16384xf32, #tpu.memory_space<hbm>>, %arg8: memref<2048xf32, #tpu.memory_space<vmem>>, %arg9: memref<512xi32, #tpu.memory_space<vmem>>, %arg10: memref<512xi32, #tpu.memory_space<vmem>>, %arg11: memref<512xi32, #tpu.memory_space<vmem>>, %arg12: memref<512xi32, #tpu.memory_space<vmem>>, %arg13: memref<16x512xf32, #tpu.memory_space<vmem>>) attributes {dimension_semantics = [#tpu.dimension_semantics<core_parallel>, #tpu.dimension_semantics<subcore_parallel>], iteration_bounds = array<i64: 2, 16>, scalar_prefetch = 0 : i64, scratch_operands = 6 : i64, tpu.core_type = #tpu.core_type<sc_vector_subcore>, window_params = [{transform_indices = #map}, {transform_indices = #map}, {transform_indices = #map}, {transform_indices = #map}, {transform_indices = #map}, {transform_indices = #map1}]} {
    %mul3A = arith.constant 2 : i32
    %mul3A_0 = arith.muli %arg1, %mul3A : i32
    %add3A = arith.addi %mul3A_0, %arg0 : i32
    %mul3A_1 = arith.constant 512 : i32
    %mul3A_2 = arith.muli %add3A, %mul3A_1 : i32
    "tpu.region"() ({
      %run_scoped3A = tpu.sem_alloc : memref<!tpu.dma_semaphore, #tpu.memory_space<semaphore_mem>>
      tpu.enqueue_dma source(%arg6 : memref<2048xf32, #tpu.memory_space<hbm>>) target(%arg8 : memref<2048xf32, #tpu.memory_space<vmem>>) target_semaphore(%run_scoped3A : memref<!tpu.dma_semaphore, #tpu.memory_space<semaphore_mem>>)
      tpu.wait_dma2 semaphore(%run_scoped3A : memref<!tpu.dma_semaphore, #tpu.memory_space<semaphore_mem>>) src(%arg6 : memref<2048xf32, #tpu.memory_space<hbm>>) dst(%arg8 : memref<2048xf32, #tpu.memory_space<vmem>>)
      tpu.yield
    }) : () -> ()
    "tpu.region"() ({
      %run_scoped3A = tpu.sem_alloc : memref<!tpu.dma_semaphore, #tpu.memory_space<semaphore_mem>>
      %dma_start3A = tpu.memref_slice %arg2[%mul3A_2] : memref<16384xi32, #tpu.memory_space<hbm>> -> memref<512xi32, #tpu.memory_space<hbm>>
      %dma_start3A_5 = tpu.memref_slice %arg2[%mul3A_2] : memref<16384xi32, #tpu.memory_space<hbm>> -> memref<512xi32, #tpu.memory_space<hbm>>
      tpu.enqueue_dma source(%dma_start3A_5 : memref<512xi32, #tpu.memory_space<hbm>>) target(%arg9 : memref<512xi32, #tpu.memory_space<vmem>>) target_semaphore(%run_scoped3A : memref<!tpu.dma_semaphore, #tpu.memory_space<semaphore_mem>>)
      %dma_wait3A = tpu.memref_slice %arg2[%mul3A_2] : memref<16384xi32, #tpu.memory_space<hbm>> -> memref<512xi32, #tpu.memory_space<hbm>>
      %dma_wait3A_6 = tpu.memref_slice %arg2[%mul3A_2] : memref<16384xi32, #tpu.memory_space<hbm>> -> memref<512xi32, #tpu.memory_space<hbm>>
      tpu.wait_dma2 semaphore(%run_scoped3A : memref<!tpu.dma_semaphore, #tpu.memory_space<semaphore_mem>>) src(%dma_wait3A_6 : memref<512xi32, #tpu.memory_space<hbm>>) dst(%arg9 : memref<512xi32, #tpu.memory_space<vmem>>)
      tpu.yield
    }) : () -> ()
    "tpu.region"() ({
      %run_scoped3A = tpu.sem_alloc : memref<!tpu.dma_semaphore, #tpu.memory_space<semaphore_mem>>
      %dma_start3A = tpu.memref_slice %arg3[%mul3A_2] : memref<16384xi32, #tpu.memory_space<hbm>> -> memref<512xi32, #tpu.memory_space<hbm>>
      %dma_start3A_5 = tpu.memref_slice %arg3[%mul3A_2] : memref<16384xi32, #tpu.memory_space<hbm>> -> memref<512xi32, #tpu.memory_space<hbm>>
      tpu.enqueue_dma source(%dma_start3A_5 : memref<512xi32, #tpu.memory_space<hbm>>) target(%arg10 : memref<512xi32, #tpu.memory_space<vmem>>) target_semaphore(%run_scoped3A : memref<!tpu.dma_semaphore, #tpu.memory_space<semaphore_mem>>)
      %dma_wait3A = tpu.memref_slice %arg3[%mul3A_2] : memref<16384xi32, #tpu.memory_space<hbm>> -> memref<512xi32, #tpu.memory_space<hbm>>
      %dma_wait3A_6 = tpu.memref_slice %arg3[%mul3A_2] : memref<16384xi32, #tpu.memory_space<hbm>> -> memref<512xi32, #tpu.memory_space<hbm>>
      tpu.wait_dma2 semaphore(%run_scoped3A : memref<!tpu.dma_semaphore, #tpu.memory_space<semaphore_mem>>) src(%dma_wait3A_6 : memref<512xi32, #tpu.memory_space<hbm>>) dst(%arg10 : memref<512xi32, #tpu.memory_space<vmem>>)
      tpu.yield
    }) : () -> ()
    "tpu.region"() ({
      %run_scoped3A = tpu.sem_alloc : memref<!tpu.dma_semaphore, #tpu.memory_space<semaphore_mem>>
      %dma_start3A = tpu.memref_slice %arg4[%mul3A_2] : memref<16384xi32, #tpu.memory_space<hbm>> -> memref<512xi32, #tpu.memory_space<hbm>>
      %dma_start3A_5 = tpu.memref_slice %arg4[%mul3A_2] : memref<16384xi32, #tpu.memory_space<hbm>> -> memref<512xi32, #tpu.memory_space<hbm>>
      tpu.enqueue_dma source(%dma_start3A_5 : memref<512xi32, #tpu.memory_space<hbm>>) target(%arg11 : memref<512xi32, #tpu.memory_space<vmem>>) target_semaphore(%run_scoped3A : memref<!tpu.dma_semaphore, #tpu.memory_space<semaphore_mem>>)
      %dma_wait3A = tpu.memref_slice %arg4[%mul3A_2] : memref<16384xi32, #tpu.memory_space<hbm>> -> memref<512xi32, #tpu.memory_space<hbm>>
      %dma_wait3A_6 = tpu.memref_slice %arg4[%mul3A_2] : memref<16384xi32, #tpu.memory_space<hbm>> -> memref<512xi32, #tpu.memory_space<hbm>>
      tpu.wait_dma2 semaphore(%run_scoped3A : memref<!tpu.dma_semaphore, #tpu.memory_space<semaphore_mem>>) src(%dma_wait3A_6 : memref<512xi32, #tpu.memory_space<hbm>>) dst(%arg11 : memref<512xi32, #tpu.memory_space<vmem>>)
      tpu.yield
    }) : () -> ()
    "tpu.region"() ({
      %run_scoped3A = tpu.sem_alloc : memref<!tpu.dma_semaphore, #tpu.memory_space<semaphore_mem>>
      %dma_start3A = tpu.memref_slice %arg5[%mul3A_2] : memref<16384xi32, #tpu.memory_space<hbm>> -> memref<512xi32, #tpu.memory_space<hbm>>
      %dma_start3A_5 = tpu.memref_slice %arg5[%mul3A_2] : memref<16384xi32, #tpu.memory_space<hbm>> -> memref<512xi32, #tpu.memory_space<hbm>>
      tpu.enqueue_dma source(%dma_start3A_5 : memref<512xi32, #tpu.memory_space<hbm>>) target(%arg12 : memref<512xi32, #tpu.memory_space<vmem>>) target_semaphore(%run_scoped3A : memref<!tpu.dma_semaphore, #tpu.memory_space<semaphore_mem>>)
      %dma_wait3A = tpu.memref_slice %arg5[%mul3A_2] : memref<16384xi32, #tpu.memory_space<hbm>> -> memref<512xi32, #tpu.memory_space<hbm>>
      %dma_wait3A_6 = tpu.memref_slice %arg5[%mul3A_2] : memref<16384xi32, #tpu.memory_space<hbm>> -> memref<512xi32, #tpu.memory_space<hbm>>
      tpu.wait_dma2 semaphore(%run_scoped3A : memref<!tpu.dma_semaphore, #tpu.memory_space<semaphore_mem>>) src(%dma_wait3A_6 : memref<512xi32, #tpu.memory_space<hbm>>) dst(%arg12 : memref<512xi32, #tpu.memory_space<vmem>>)
      tpu.yield
    }) : () -> ()
    %iota3A = tpu.iota {dimensions = array<i32: 0>} : vector<16xi32>
    %parallel_loop3A = arith.constant 0 : i32
    %parallel_loop3A_3 = arith.constant 32 : i32
    %parallel_loop3A_4 = arith.constant 1 : i32
    scf.for %parallel_loop3A_5 = %parallel_loop3A to %parallel_loop3A_3 step %parallel_loop3A_4  : i32 {
      %parallel_loop3A_6 = arith.constant 16 : i32
      %parallel_loop3A_7 = arith.muli %parallel_loop3A_5, %parallel_loop3A_6 : i32
      %parallel_loop3A_8 = arith.index_cast %parallel_loop3A_7 : i32 to index
      %parallel_loop3A_9 = tpu.vector_load %arg9[%parallel_loop3A_8] {strides = array<i32>} : memref<512xi32, #tpu.memory_space<vmem>>, vector<16xi32>,
      %parallel_loop3A_10 = arith.index_cast %parallel_loop3A_7 : i32 to index
      %parallel_loop3A_11 = tpu.vector_load %arg10[%parallel_loop3A_10] {strides = array<i32>} : memref<512xi32, #tpu.memory_space<vmem>>, vector<16xi32>,
      %parallel_loop3A_12 = arith.index_cast %parallel_loop3A_7 : i32 to index
      %parallel_loop3A_13 = tpu.vector_load %arg11[%parallel_loop3A_12] {strides = array<i32>} : memref<512xi32, #tpu.memory_space<vmem>>, vector<16xi32>,
      %parallel_loop3A_14 = arith.index_cast %parallel_loop3A_7 : i32 to index
      %parallel_loop3A_15 = tpu.vector_load %arg12[%parallel_loop3A_14] {strides = array<i32>} : memref<512xi32, #tpu.memory_space<vmem>>, vector<16xi32>,
      %parallel_loop3A_16 = arith.constant 1 : i32
      %parallel_loop3A_17 = vector.broadcast %parallel_loop3A_16 : i32 to vector<16xi32>
      %parallel_loop3A_18 = arith.addi %parallel_loop3A_15, %parallel_loop3A_17 : vector<16xi32>
      %parallel_loop3A_19 = arith.constant 0 : i32
      %parallel_loop3A_20 = vector.broadcast %parallel_loop3A_19 : i32 to vector<16xi32>
      %parallel_loop3A_21 = arith.maxsi %parallel_loop3A_18, %parallel_loop3A_20 : vector<16xi32>
      %parallel_loop3A_22 = arith.constant 2 : i32
      %parallel_loop3A_23 = vector.broadcast %parallel_loop3A_22 : i32 to vector<16xi32>
      %parallel_loop3A_24 = arith.minsi %parallel_loop3A_21, %parallel_loop3A_23 : vector<16xi32>
      %parallel_loop3A_25 = arith.constant 128 : i32
      %parallel_loop3A_26 = vector.broadcast %parallel_loop3A_25 : i32 to vector<16xi32>
      %parallel_loop3A_27 = arith.muli %parallel_loop3A_9, %parallel_loop3A_26 : vector<16xi32>
      %parallel_loop3A_28 = arith.constant 128 : i32
      %parallel_loop3A_29 = vector.broadcast %parallel_loop3A_28 : i32 to vector<16xi32>
      %parallel_loop3A_30 = arith.muli %parallel_loop3A_11, %parallel_loop3A_29 : vector<16xi32>
      %parallel_loop3A_31 = arith.constant 128 : i32
      %parallel_loop3A_32 = vector.broadcast %parallel_loop3A_31 : i32 to vector<16xi32>
      %parallel_loop3A_33 = arith.muli %parallel_loop3A_13, %parallel_loop3A_32 : vector<16xi32>
      %parallel_loop3A_34 = arith.constant 128 : i32
      %parallel_loop3A_35 = vector.broadcast %parallel_loop3A_34 : i32 to vector<16xi32>
      %parallel_loop3A_36 = arith.muli %parallel_loop3A_24, %parallel_loop3A_35 : vector<16xi32>
      %parallel_loop3A_37 = arith.constant 0 : i32
      %parallel_loop3A_38 = vector.broadcast %parallel_loop3A_37 : i32 to vector<16xi32>
      %parallel_loop3A_39 = arith.addi %parallel_loop3A_27, %parallel_loop3A_38 : vector<16xi32>
      %parallel_loop3A_40 = tpu.vector_load_idx %arg8[%parallel_loop3A_39] : memref<2048xf32, #tpu.memory_space<vmem>>[vector<16xi32>], vector<16xf32>,
      %parallel_loop3A_41 = arith.constant 0 : i32
      %parallel_loop3A_42 = arith.index_cast %parallel_loop3A_41 : i32 to index
      %parallel_loop3A_43 = arith.index_cast %parallel_loop3A_7 : i32 to index
      %parallel_loop3A_44 = tpu.vector_load %arg13[%parallel_loop3A_42, %parallel_loop3A_43] {strides = array<i32>} : memref<16x512xf32, #tpu.memory_space<vmem>>, vector<16xf32>,
      tpu.vector_store %arg13[%parallel_loop3A_42, %parallel_loop3A_43], %parallel_loop3A_40 {strides = array<i32>} : memref<16x512xf32, #tpu.memory_space<vmem>>, vector<16xf32>,
      %parallel_loop3A_45 = arith.constant 1 : i32
      %parallel_loop3A_46 = vector.broadcast %parallel_loop3A_45 : i32 to vector<16xi32>
      %parallel_loop3A_47 = arith.addi %parallel_loop3A_27, %parallel_loop3A_46 : vector<16xi32>
      %parallel_loop3A_48 = tpu.vector_load_idx %arg8[%parallel_loop3A_47] : memref<2048xf32, #tpu.memory_space<vmem>>[vector<16xi32>], vector<16xf32>,
      %parallel_loop3A_49 = arith.constant 1 : i32
      %parallel_loop3A_50 = arith.index_cast %parallel_loop3A_49 : i32 to index
      %parallel_loop3A_51 = arith.index_cast %parallel_loop3A_7 : i32 to index
      %parallel_loop3A_52 = tpu.vector_load %arg13[%parallel_loop3A_50, %parallel_loop3A_51] {strides = array<i32>} : memref<16x512xf32, #tpu.memory_space<vmem>>, vector<16xf32>,
      tpu.vector_store %arg13[%parallel_loop3A_50, %parallel_loop3A_51], %parallel_loop3A_48 {strides = array<i32>} : memref<16x512xf32, #tpu.memory_space<vmem>>, vector<16xf32>,
      %parallel_loop3A_53 = arith.constant 2 : i32
      %parallel_loop3A_54 = vector.broadcast %parallel_loop3A_53 : i32 to vector<16xi32>
      %parallel_loop3A_55 = arith.addi %parallel_loop3A_27, %parallel_loop3A_54 : vector<16xi32>
      %parallel_loop3A_56 = tpu.vector_load_idx %arg8[%parallel_loop3A_55] : memref<2048xf32, #tpu.memory_space<vmem>>[vector<16xi32>], vector<16xf32>,
      %parallel_loop3A_57 = arith.constant 2 : i32
      %parallel_loop3A_58 = arith.index_cast %parallel_loop3A_57 : i32 to index
      %parallel_loop3A_59 = arith.index_cast %parallel_loop3A_7 : i32 to index
      %parallel_loop3A_60 = tpu.vector_load %arg13[%parallel_loop3A_58, %parallel_loop3A_59] {strides = array<i32>} : memref<16x512xf32, #tpu.memory_space<vmem>>, vector<16xf32>,
      tpu.vector_store %arg13[%parallel_loop3A_58, %parallel_loop3A_59], %parallel_loop3A_56 {strides = array<i32>} : memref<16x512xf32, #tpu.memory_space<vmem>>, vector<16xf32>,
      %parallel_loop3A_61 = arith.constant 3 : i32
      %parallel_loop3A_62 = vector.broadcast %parallel_loop3A_61 : i32 to vector<16xi32>
      %parallel_loop3A_63 = arith.addi %parallel_loop3A_27, %parallel_loop3A_62 : vector<16xi32>
      %parallel_loop3A_64 = tpu.vector_load_idx %arg8[%parallel_loop3A_63] : memref<2048xf32, #tpu.memory_space<vmem>>[vector<16xi32>], vector<16xf32>,
      %parallel_loop3A_65 = arith.constant 3 : i32
      %parallel_loop3A_66 = arith.index_cast %parallel_loop3A_65 : i32 to index
      %parallel_loop3A_67 = arith.index_cast %parallel_loop3A_7 : i32 to index
      %parallel_loop3A_68 = tpu.vector_load %arg13[%parallel_loop3A_66, %parallel_loop3A_67] {strides = array<i32>} : memref<16x512xf32, #tpu.memory_space<vmem>>, vector<16xf32>,
      tpu.vector_store %arg13[%parallel_loop3A_66, %parallel_loop3A_67], %parallel_loop3A_64 {strides = array<i32>} : memref<16x512xf32, #tpu.memory_space<vmem>>, vector<16xf32>,
      %parallel_loop3A_69 = arith.constant 4 : i32
      %parallel_loop3A_70 = vector.broadcast %parallel_loop3A_69 : i32 to vector<16xi32>
      %parallel_loop3A_71 = arith.addi %parallel_loop3A_27, %parallel_loop3A_70 : vector<16xi32>
      %parallel_loop3A_72 = tpu.vector_load_idx %arg8[%parallel_loop3A_71] : memref<2048xf32, #tpu.memory_space<vmem>>[vector<16xi32>], vector<16xf32>,
      %parallel_loop3A_73 = arith.constant 4 : i32
      %parallel_loop3A_74 = arith.index_cast %parallel_loop3A_73 : i32 to index
      %parallel_loop3A_75 = arith.index_cast %parallel_loop3A_7 : i32 to index
      %parallel_loop3A_76 = tpu.vector_load %arg13[%parallel_loop3A_74, %parallel_loop3A_75] {strides = array<i32>} : memref<16x512xf32, #tpu.memory_space<vmem>>, vector<16xf32>,
      tpu.vector_store %arg13[%parallel_loop3A_74, %parallel_loop3A_75], %parallel_loop3A_72 {strides = array<i32>} : memref<16x512xf32, #tpu.memory_space<vmem>>, vector<16xf32>,
      %parallel_loop3A_77 = arith.constant 5 : i32
      %parallel_loop3A_78 = vector.broadcast %parallel_loop3A_77 : i32 to vector<16xi32>
      %parallel_loop3A_79 = arith.addi %parallel_loop3A_27, %parallel_loop3A_78 : vector<16xi32>
      %parallel_loop3A_80 = tpu.vector_load_idx %arg8[%parallel_loop3A_79] : memref<2048xf32, #tpu.memory_space<vmem>>[vector<16xi32>], vector<16xf32>,
      %parallel_loop3A_81 = arith.constant 5 : i32
      %parallel_loop3A_82 = arith.index_cast %parallel_loop3A_81 : i32 to index
      %parallel_loop3A_83 = arith.index_cast %parallel_loop3A_7 : i32 to index
      %parallel_loop3A_84 = tpu.vector_load %arg13[%parallel_loop3A_82, %parallel_loop3A_83] {strides = array<i32>} : memref<16x512xf32, #tpu.memory_space<vmem>>, vector<16xf32>,
      tpu.vector_store %arg13[%parallel_loop3A_82, %parallel_loop3A_83], %parallel_loop3A_80 {strides = array<i32>} : memref<16x512xf32, #tpu.memory_space<vmem>>, vector<16xf32>,
      %parallel_loop3A_85 = arith.constant 6 : i32
      %parallel_loop3A_86 = vector.broadcast %parallel_loop3A_85 : i32 to vector<16xi32>
      %parallel_loop3A_87 = arith.addi %parallel_loop3A_27, %parallel_loop3A_86 : vector<16xi32>
      %parallel_loop3A_88 = tpu.vector_load_idx %arg8[%parallel_loop3A_87] : memref<2048xf32, #tpu.memory_space<vmem>>[vector<16xi32>], vector<16xf32>,
      %parallel_loop3A_89 = arith.constant 6 : i32
      %parallel_loop3A_90 = arith.index_cast %parallel_loop3A_89 : i32 to index
      %parallel_loop3A_91 = arith.index_cast %parallel_loop3A_7 : i32 to index
      %parallel_loop3A_92 = tpu.vector_load %arg13[%parallel_loop3A_90, %parallel_loop3A_91] {strides = array<i32>} : memref<16x512xf32, #tpu.memory_space<vmem>>, vector<16xf32>,
      tpu.vector_store %arg13[%parallel_loop3A_90, %parallel_loop3A_91], %parallel_loop3A_88 {strides = array<i32>} : memref<16x512xf32, #tpu.memory_space<vmem>>, vector<16xf32>,
      %parallel_loop3A_93 = arith.constant 7 : i32
      %parallel_loop3A_94 = vector.broadcast %parallel_loop3A_93 : i32 to vector<16xi32>
      %parallel_loop3A_95 = arith.addi %parallel_loop3A_27, %parallel_loop3A_94 : vector<16xi32>
      %parallel_loop3A_96 = tpu.vector_load_idx %arg8[%parallel_loop3A_95] : memref<2048xf32, #tpu.memory_space<vmem>>[vector<16xi32>], vector<16xf32>,
      %parallel_loop3A_97 = arith.constant 7 : i32
      %parallel_loop3A_98 = arith.index_cast %parallel_loop3A_97 : i32 to index
      %parallel_loop3A_99 = arith.index_cast %parallel_loop3A_7 : i32 to index
      %parallel_loop3A_100 = tpu.vector_load %arg13[%parallel_loop3A_98, %parallel_loop3A_99] {strides = array<i32>} : memref<16x512xf32, #tpu.memory_space<vmem>>, vector<16xf32>,
      tpu.vector_store %arg13[%parallel_loop3A_98, %parallel_loop3A_99], %parallel_loop3A_96 {strides = array<i32>} : memref<16x512xf32, #tpu.memory_space<vmem>>, vector<16xf32>,
      %parallel_loop3A_101 = arith.constant 8 : i32
      %parallel_loop3A_102 = vector.broadcast %parallel_loop3A_101 : i32 to vector<16xi32>
      %parallel_loop3A_103 = arith.addi %parallel_loop3A_30, %parallel_loop3A_102 : vector<16xi32>
      %parallel_loop3A_104 = tpu.vector_load_idx %arg8[%parallel_loop3A_103] : memref<2048xf32, #tpu.memory_space<vmem>>[vector<16xi32>], vector<16xf32>,
      %parallel_loop3A_105 = arith.constant 8 : i32
      %parallel_loop3A_106 = arith.index_cast %parallel_loop3A_105 : i32 to index
      %parallel_loop3A_107 = arith.index_cast %parallel_loop3A_7 : i32 to index
      %parallel_loop3A_108 = tpu.vector_load %arg13[%parallel_loop3A_106, %parallel_loop3A_107] {strides = array<i32>} : memref<16x512xf32, #tpu.memory_space<vmem>>, vector<16xf32>,
      tpu.vector_store %arg13[%parallel_loop3A_106, %parallel_loop3A_107], %parallel_loop3A_104 {strides = array<i32>} : memref<16x512xf32, #tpu.memory_space<vmem>>, vector<16xf32>,
      %parallel_loop3A_109 = arith.constant 9 : i32
      %parallel_loop3A_110 = vector.broadcast %parallel_loop3A_109 : i32 to vector<16xi32>
      %parallel_loop3A_111 = arith.addi %parallel_loop3A_30, %parallel_loop3A_110 : vector<16xi32>
      %parallel_loop3A_112 = tpu.vector_load_idx %arg8[%parallel_loop3A_111] : memref<2048xf32, #tpu.memory_space<vmem>>[vector<16xi32>], vector<16xf32>,
      %parallel_loop3A_113 = arith.constant 9 : i32
      %parallel_loop3A_114 = arith.index_cast %parallel_loop3A_113 : i32 to index
      %parallel_loop3A_115 = arith.index_cast %parallel_loop3A_7 : i32 to index
      %parallel_loop3A_116 = tpu.vector_load %arg13[%parallel_loop3A_114, %parallel_loop3A_115] {strides = array<i32>} : memref<16x512xf32, #tpu.memory_space<vmem>>, vector<16xf32>,
      tpu.vector_store %arg13[%parallel_loop3A_114, %parallel_loop3A_115], %parallel_loop3A_112 {strides = array<i32>} : memref<16x512xf32, #tpu.memory_space<vmem>>, vector<16xf32>,
      %parallel_loop3A_117 = arith.constant 10 : i32
      %parallel_loop3A_118 = vector.broadcast %parallel_loop3A_117 : i32 to vector<16xi32>
      %parallel_loop3A_119 = arith.addi %parallel_loop3A_30, %parallel_loop3A_118 : vector<16xi32>
      %parallel_loop3A_120 = tpu.vector_load_idx %arg8[%parallel_loop3A_119] : memref<2048xf32, #tpu.memory_space<vmem>>[vector<16xi32>], vector<16xf32>,
      %parallel_loop3A_121 = arith.constant 10 : i32
      %parallel_loop3A_122 = arith.index_cast %parallel_loop3A_121 : i32 to index
      %parallel_loop3A_123 = arith.index_cast %parallel_loop3A_7 : i32 to index
      %parallel_loop3A_124 = tpu.vector_load %arg13[%parallel_loop3A_122, %parallel_loop3A_123] {strides = array<i32>} : memref<16x512xf32, #tpu.memory_space<vmem>>, vector<16xf32>,
      tpu.vector_store %arg13[%parallel_loop3A_122, %parallel_loop3A_123], %parallel_loop3A_120 {strides = array<i32>} : memref<16x512xf32, #tpu.memory_space<vmem>>, vector<16xf32>,
      %parallel_loop3A_125 = arith.constant 11 : i32
      %parallel_loop3A_126 = vector.broadcast %parallel_loop3A_125 : i32 to vector<16xi32>
      %parallel_loop3A_127 = arith.addi %parallel_loop3A_30, %parallel_loop3A_126 : vector<16xi32>
      %parallel_loop3A_128 = tpu.vector_load_idx %arg8[%parallel_loop3A_127] : memref<2048xf32, #tpu.memory_space<vmem>>[vector<16xi32>], vector<16xf32>,
      %parallel_loop3A_129 = arith.constant 11 : i32
      %parallel_loop3A_130 = arith.index_cast %parallel_loop3A_129 : i32 to index
      %parallel_loop3A_131 = arith.index_cast %parallel_loop3A_7 : i32 to index
      %parallel_loop3A_132 = tpu.vector_load %arg13[%parallel_loop3A_130, %parallel_loop3A_131] {strides = array<i32>} : memref<16x512xf32, #tpu.memory_space<vmem>>, vector<16xf32>,
      tpu.vector_store %arg13[%parallel_loop3A_130, %parallel_loop3A_131], %parallel_loop3A_128 {strides = array<i32>} : memref<16x512xf32, #tpu.memory_space<vmem>>, vector<16xf32>,
      %parallel_loop3A_133 = arith.constant 12 : i32
      %parallel_loop3A_134 = vector.broadcast %parallel_loop3A_133 : i32 to vector<16xi32>
      %parallel_loop3A_135 = arith.addi %parallel_loop3A_33, %parallel_loop3A_134 : vector<16xi32>
      %parallel_loop3A_136 = tpu.vector_load_idx %arg8[%parallel_loop3A_135] : memref<2048xf32, #tpu.memory_space<vmem>>[vector<16xi32>], vector<16xf32>,
      %parallel_loop3A_137 = arith.constant 12 : i32
      %parallel_loop3A_138 = arith.index_cast %parallel_loop3A_137 : i32 to index
      %parallel_loop3A_139 = arith.index_cast %parallel_loop3A_7 : i32 to index
      %parallel_loop3A_140 = tpu.vector_load %arg13[%parallel_loop3A_138, %parallel_loop3A_139] {strides = array<i32>} : memref<16x512xf32, #tpu.memory_space<vmem>>, vector<16xf32>,
      tpu.vector_store %arg13[%parallel_loop3A_138, %parallel_loop3A_139], %parallel_loop3A_136 {strides = array<i32>} : memref<16x512xf32, #tpu.memory_space<vmem>>, vector<16xf32>,
      %parallel_loop3A_141 = arith.constant 13 : i32
      %parallel_loop3A_142 = vector.broadcast %parallel_loop3A_141 : i32 to vector<16xi32>
      %parallel_loop3A_143 = arith.addi %parallel_loop3A_33, %parallel_loop3A_142 : vector<16xi32>
      %parallel_loop3A_144 = tpu.vector_load_idx %arg8[%parallel_loop3A_143] : memref<2048xf32, #tpu.memory_space<vmem>>[vector<16xi32>], vector<16xf32>,
      %parallel_loop3A_145 = arith.constant 13 : i32
      %parallel_loop3A_146 = arith.index_cast %parallel_loop3A_145 : i32 to index
      %parallel_loop3A_147 = arith.index_cast %parallel_loop3A_7 : i32 to index
      %parallel_loop3A_148 = tpu.vector_load %arg13[%parallel_loop3A_146, %parallel_loop3A_147] {strides = array<i32>} : memref<16x512xf32, #tpu.memory_space<vmem>>, vector<16xf32>,
      tpu.vector_store %arg13[%parallel_loop3A_146, %parallel_loop3A_147], %parallel_loop3A_144 {strides = array<i32>} : memref<16x512xf32, #tpu.memory_space<vmem>>, vector<16xf32>,
      %parallel_loop3A_149 = arith.constant 14 : i32
      %parallel_loop3A_150 = vector.broadcast %parallel_loop3A_149 : i32 to vector<16xi32>
      %parallel_loop3A_151 = arith.addi %parallel_loop3A_36, %parallel_loop3A_150 : vector<16xi32>
      %parallel_loop3A_152 = tpu.vector_load_idx %arg8[%parallel_loop3A_151] : memref<2048xf32, #tpu.memory_space<vmem>>[vector<16xi32>], vector<16xf32>,
      %parallel_loop3A_153 = arith.constant 14 : i32
      %parallel_loop3A_154 = arith.index_cast %parallel_loop3A_153 : i32 to index
      %parallel_loop3A_155 = arith.index_cast %parallel_loop3A_7 : i32 to index
      %parallel_loop3A_156 = tpu.vector_load %arg13[%parallel_loop3A_154, %parallel_loop3A_155] {strides = array<i32>} : memref<16x512xf32, #tpu.memory_space<vmem>>, vector<16xf32>,
      tpu.vector_store %arg13[%parallel_loop3A_154, %parallel_loop3A_155], %parallel_loop3A_152 {strides = array<i32>} : memref<16x512xf32, #tpu.memory_space<vmem>>, vector<16xf32>,
      %parallel_loop3A_157 = arith.constant 15 : i32
      %parallel_loop3A_158 = vector.broadcast %parallel_loop3A_157 : i32 to vector<16xi32>
      %parallel_loop3A_159 = arith.addi %parallel_loop3A_36, %parallel_loop3A_158 : vector<16xi32>
      %parallel_loop3A_160 = tpu.vector_load_idx %arg8[%parallel_loop3A_159] : memref<2048xf32, #tpu.memory_space<vmem>>[vector<16xi32>], vector<16xf32>,
      %parallel_loop3A_161 = arith.constant 15 : i32
      %parallel_loop3A_162 = arith.index_cast %parallel_loop3A_161 : i32 to index
      %parallel_loop3A_163 = arith.index_cast %parallel_loop3A_7 : i32 to index
      %parallel_loop3A_164 = tpu.vector_load %arg13[%parallel_loop3A_162, %parallel_loop3A_163] {strides = array<i32>} : memref<16x512xf32, #tpu.memory_space<vmem>>, vector<16xf32>,
      tpu.vector_store %arg13[%parallel_loop3A_162, %parallel_loop3A_163], %parallel_loop3A_160 {strides = array<i32>} : memref<16x512xf32, #tpu.memory_space<vmem>>, vector<16xf32>,
    } {sc.loop_unroll_factor = 4 : i64, sc.parallel_access}
    "tpu.region"() ({
      %run_scoped3A = tpu.sem_alloc : memref<!tpu.dma_semaphore, #tpu.memory_space<semaphore_mem>>
      %dma_start3A = arith.constant 0 : i32
      %dma_start3A_5 = tpu.memref_slice %arg7[%dma_start3A, %mul3A_2] : memref<16x16384xf32, #tpu.memory_space<hbm>> -> memref<16x512xf32, #tpu.memory_space<hbm>>
      %dma_start3A_6 = arith.constant 0 : i32
      %dma_start3A_7 = tpu.memref_slice %arg7[%dma_start3A_6, %mul3A_2] : memref<16x16384xf32, #tpu.memory_space<hbm>> -> memref<16x512xf32, #tpu.memory_space<hbm>>
      tpu.enqueue_dma source(%arg13 : memref<16x512xf32, #tpu.memory_space<vmem>>) target(%dma_start3A_7 : memref<16x512xf32, #tpu.memory_space<hbm>>) target_semaphore(%run_scoped3A : memref<!tpu.dma_semaphore, #tpu.memory_space<semaphore_mem>>)
      %dma_wait3A = arith.constant 0 : i32
      %dma_wait3A_8 = tpu.memref_slice %arg7[%dma_wait3A, %mul3A_2] : memref<16x16384xf32, #tpu.memory_space<hbm>> -> memref<16x512xf32, #tpu.memory_space<hbm>>
      %dma_wait3A_9 = arith.constant 0 : i32
      %dma_wait3A_10 = tpu.memref_slice %arg7[%dma_wait3A_9, %mul3A_2] : memref<16x16384xf32, #tpu.memory_space<hbm>> -> memref<16x512xf32, #tpu.memory_space<hbm>>
      tpu.wait_dma2 semaphore(%run_scoped3A : memref<!tpu.dma_semaphore, #tpu.memory_space<semaphore_mem>>) src(%arg13 : memref<16x512xf32, #tpu.memory_space<vmem>>) dst(%dma_wait3A_10 : memref<16x512xf32, #tpu.memory_space<hbm>>)
      tpu.yield
    }) : () -> ()
    return
  }
}

</mosaic_0001>

<sc_bundles>
// kernel: kernel.3.cloned.1.call-start
scs
__scs_entry_jumppad:
0x0: {  	(pc) =	sbr.rel $0x88, $3  }
0x1: {  	(tag) =	ssettag $0x0;
	lr =	simm.s32 $0x1  }
0x2: {  	[smem:$0x3F99] =	sst lr;
	_ =	strace $0xD0000000  }
0x3: {  	_ = 	snop  }
0x4: {  	_ = 	snop  }
0x5: {  	_ = 	snop  }
0x6: {  	_ = 	snop  }
0x7: {  	_ = 	snop  }
__scs_overlays_trampoline_lowered:
0x8: {  	[smem:$0x3FA8] =	sst s0  }
0x9: {  	[smem:$0x3FA9] =	sst s1  }
0xa: {  	[smem:$0x3FAA] =	sst s2  }
0xb: {  	[smem:$0x3FAB] =	sst s3  }
0xc: {  	[smem:$0x3FAC] =	sst s4  }
0xd: {  	[smem:$0x3FAD] =	sst s5  }
0xe: {  	[smem:$0x3FAE] =	sst s6  }
0xf: {  	[smem:$0x3FAF] =	sst s7  }
0x10: {  	[smem:$0x3FB0] =	sst s8  }
0x11: {  	[smem:$0x3FB1] =	sst s9;
	s0 =	simm.s32 @!p0 $0x0  }
0x12: {  	s1 =	sld [smem:$0x3F97];
	s0 =	simm.s32 @p0 $0x1  }
0x13: {  	[smem:$0x3FB2] =	sst s0;
	s0 =	simm.s32 @!p1 $0x0  }
0x14: {  	s2 =	sld [smem:$0x3F96];
	s0 =	simm.s32 @p1 $0x1  }
0x15: {  	[smem:$0x3FB3] =	sst s0;
	s0 =	simm.s32 @!p2 $0x0  }
0x16: {  	s3 =	sld [smem:$0x3FDB];
	s0 =	simm.s32 @p2 $0x1  }
0x17: {  	s4 =	simm.s32 $0x1BF5;
	[smem:$0x3FB5] =	sst s0  }
0x18: {  	s0 =	sld [smem:$0x3F98];
	_ =	swait.ge [sflag:s4], $0x0  }
0x19: {  	s7 =	sld [smem:$0x3F99]  }
0x1a: {  	s8 =	sadd.s32 $0xFFFFE003, lr  }
0x1b: {  	s9 =	sadd.s32 $0xFFFFFEF7, lr;
	s5 =	simm.s32 $0xFFFFFFFF;
	p2 =	slt.u32 s8, $0xFFFFF086  }
0x1c: {  	p1 =	slt.u32 s9, $0xF7A;
	s5 =	simm.s32 @!p2 $0x0  }
0x1d: {  	s5 =	simm.s32 @p1 $0x1;
	p0 =	seq.s32 s7, s2  }
0x1e: {  	s7 =	smul.u32 @!p0 $0xF7A, s2;
	p2 =	seq.s32 @!p0 s5, $0x0  }
0x1f: {  	s9 =	smul.u32 $0xF7A, s1;
	s8 =	simm.s32 @!p0 $0x1BF5;
	p2 =	por !p2, p0  }
0x20: {  	[sflag:s8] =	ssyncset.s32 @!p0 $0xFFFFF086;
	s6 =	sadd.s32 @!p0 s3, s7;
	s7 =	simm.s32 @!p0 $0x108  }
0x21: {  	s3 =	sadd.s32 s3, s9;
	s6 =	sadd.s32 @!p0 $0x88, s6;
	s7 =	simm.s32 @p2 $0x1082  }
0x22: {  	[simem:s7], [sflag:s8] =	dma.local @!p0 [hbm:s6], $0xF7A  }
0x23: {  	s9 =	sor.u32 $0xD0000000, s2;
	s6 =	simm.s32 $0x108;
	_ =	swait.ge @!p0 [sflag:s8], $0x0  }
0x24: {  	s3 =	sadd.s32 $0x88, s3;
	s6 =	simm.s32 @!p1 $0x1082;
	[sflag:s4] =	ssyncset.s32 $0xFFFFF086  }
0x25: {  	[simem:s6], [sflag:s4] =	dma.local [hbm:s3], $0xF7A  }
0x26: {  	[smem:$0x3F99] =	sst s1;
	(tag) =	ssettag s2;
	_ =	strace s9  }
0x27: {  	s1 =	sld [smem:$0x3FA9]  }
0x28: {  	s2 =	sld [smem:$0x3FAA]  }
0x29: {  	s4 =	sld [smem:$0x3FAC]  }
0x2a: {  	p0 =	seq.s32 s5, $0x0;
	s5 =	sld [smem:$0x3FAD]  }
0x2b: {  	s6 =	sld [smem:$0x3FAE]  }
0x2c: {  	s7 =	sld [smem:$0x3FAF]  }
0x2d: {  	s3 =	simm.s32 $0x108;
	s8 =	sld [smem:$0x3FB0]  }
0x2e: {  	s3 =	simm.s32 @!p0 $0x1082;
	s9 =	sld [smem:$0x3FB1]  }
0x2f: {  	lr =	sadd.s32 s0, s3;
	s0 =	sld [smem:$0x3FA8]  }
0x30: {  	s3 =	sld [smem:$0x3FAB]  }
0x31: {  	[smem:$0x3FB4] =	sst s10  }
0x32: {  	s10 =	sld [smem:$0x3FB2];
	_ =	sdelay $0x3  }
0x33: {  	p0 =	seq.s32 s10, $0x1;
	s10 =	sld [smem:$0x3FB4];
	_ =	sdelay $0x3  }
0x34: {  	[smem:$0x3FB4] =	sst s10  }
0x35: {  	s10 =	sld [smem:$0x3FB3];
	_ =	sdelay $0x3  }
0x36: {  	p1 =	seq.s32 s10, $0x1;
	s10 =	sld [smem:$0x3FB4];
	_ =	sdelay $0x3  }
0x37: {  	[smem:$0x3FB4] =	sst s10  }
0x38: {  	s10 =	sld [smem:$0x3FB5]  }
0x39: {  	_ = 	snop;
	(pc) =	sbr.ind lr, $3  }
0x3a: {  	_ = 	snop  }
0x3b: {  	_ = 	snop  }
0x3c: {  	p2 =	seq.s32 s10, $0x1;
	s10 =	sld [smem:$0x3FB4]  }
0x3d: {  	_ =	shalt  }
0x3e: {  	_ =	shalt  }
0x3f: {  	_ =	shalt  }
0x40: {  	_ =	shalt  }
0x41: {  	_ =	shalt  }
0x42: {  	_ =	shalt  }
0x43: {  	_ =	shalt  }
0x44: {  	_ =	shalt  }
0x45: {  	_ =	shalt  }
0x46: {  	_ =	shalt  }
0x47: {  	_ =	shalt  }
0x48: {  	_ =	shalt  }
0x49: {  	_ =	shalt  }
0x4a: {  	_ =	shalt  }
0x4b: {  	_ =	shalt  }
0x4c: {  	_ =	shalt  }
0x4d: {  	_ =	shalt  }
0x4e: {  	_ =	shalt  }
0x4f: {  	_ =	shalt  }
0x50: {  	_ =	shalt  }
0x51: {  	_ =	shalt  }
0x52: {  	_ =	shalt  }
0x53: {  	_ =	shalt  }
0x54: {  	_ =	shalt  }
0x55: {  	_ =	shalt  }
0x56: {  	_ =	shalt  }
0x57: {  	_ =	shalt  }
0x58: {  	_ =	shalt  }
0x59: {  	_ =	shalt  }
0x5a: {  	_ =	shalt  }
0x5b: {  	_ =	shalt  }
0x5c: {  	_ =	shalt  }
0x5d: {  	_ =	shalt  }
0x5e: {  	_ =	shalt  }
0x5f: {  	_ =	shalt  }
0x60: {  	_ =	shalt  }
0x61: {  	_ =	shalt  }
0x62: {  	_ =	shalt  }
0x63: {  	_ =	shalt  }
0x64: {  	_ =	shalt  }
0x65: {  	_ =	shalt  }
0x66: {  	_ =	shalt  }
0x67: {  	_ =	shalt  }
0x68: {  	_ =	shalt  }
0x69: {  	_ =	shalt  }
0x6a: {  	_ =	shalt  }
0x6b: {  	_ =	shalt  }
0x6c: {  	_ =	shalt  }
0x6d: {  	_ =	shalt  }
0x6e: {  	_ =	shalt  }
0x6f: {  	_ =	shalt  }
0x70: {  	_ =	shalt  }
0x71: {  	_ =	shalt  }
0x72: {  	_ =	shalt  }
0x73: {  	_ =	shalt  }
0x74: {  	_ =	shalt  }
0x75: {  	_ =	shalt  }
0x76: {  	_ =	shalt  }
0x77: {  	_ =	shalt  }
0x78: {  	_ =	shalt  }
0x79: {  	_ =	shalt  }
0x7a: {  	_ =	shalt  }
0x7b: {  	_ =	shalt  }
0x7c: {  	_ =	shalt  }
0x7d: {  	_ =	shalt  }
0x7e: {  	_ =	shalt  }
0x7f: {  	_ =	shalt  }
0x80: {  	_ =	shalt  }
0x81: {  	_ =	shalt  }
0x82: {  	_ =	shalt  }
0x83: {  	_ =	shalt  }
0x84: {  	_ =	shalt  }
0x85: {  	_ =	shalt  }
0x86: {  	_ =	shalt  }
0x87: {  	_ =	shalt  }
.Lfunc_end0:
.L_simem_size_0:
called_computation_lowered:
.L_overlay_start_0:
0x88: {  	s2 =	sld [smem:$0x3FD9]  }
0x89: {  	s3 =	sld [smem:$0x3FFE];
	_ =	sdelay $0x1  }
0x8a: {  	s1 =	srdreg.scid  }
0x8b: {  	s0 =	sand.u32 $0x1, s1  }
0x8c: {  	s17 =	sshll.u32 s0, $0xA;
	s2 =	sadd.s32 s3, s2  }
0x8d: {  	s2 =	sadd.s32 s2, s17  }
0x8e: {  	[smem:$0x3FC0] =	sst s2  }
0x8f: {  	_ = 	snop  }
0x90: {  	s2 =	sld [smem:$0x3FC9]  }
0x91: {  	s18 =	sld [smem:$0x3FC8]  }
0x92: {  	s4 =	sld [smem:$0x3FC7]  }
0x93: {  	s5 =	sld [smem:$0x3FC6]  }
0x94: {  	s6 =	sld [smem:$0x3FD0];
	(tm) =	ssettm $0x1  }
0x95: {  	s7 =	sld [smem:$0x3FFB];
	_ =	sdelay $0x3  }
0x96: {  	_ =	strace s7  }
0x97: {  	s7 =	sld [smem:$0x3FFC];
	_ =	sdelay $0x3  }
0x98: {  	_ =	strace s7  }
0x99: {  	s7 =	sld [smem:$0x3FFD];
	_ =	sdelay $0x3  }
0x9a: {  	_ =	strace s7  }
0x9b: {  	_ =	strace $0x8FFFFFFF  }
0x9c: {  	s19 =	sld [smem:$0x3FDB];
	_ =	sdelay $0x1  }
0x9d: {  	s8 =	simm.s32 $_scs_section_size  }
0x9e: {  	s9 =	simm.s32 $_size__tile_overlayer_lowered;
	s10 =	simm.s32 $_tile_overlayer_lowered  }
0x9f: {  	s22 =	simm.s32 $0x1BFF;
	s21 =	sshll.u32 s10, $0x1;
	s7 =	sadd.s32 s8, s19  }
0xa0: {  	s11 =	simm.s32 $0x0;
	s20 =	sshll.u32 s9, $0x1;
	s9 =	sadd.s32 s21, s7  }
0xa1: {  	[timem:s11], [sflag:s22] =	dma.local [hbm:s9], s20  }
0xa2: {  	_ =	swait.ge [sflag:s22], s20  }
0xa3: {  	s8 =	ssub.s32 $0x0, s20;
	[sflag:s22] =	ssyncset.done $0x0  }
0xa4: {  	[sflag:s22] =	ssyncadd.s32 s8;
	_ =	sdelay $0x1  }
0xa5: {  	s23 =	simm.s32 $0x1B8B  }
0xa6: {  	_ =	swait.ge [sflag:s23], $0x1  }
0xa7: {  	[sflag:s23] =	ssyncset.done $0x0  }
0xa8: {  	s25 =	simm.s32 $0x1B8E;
	s24 =	sld [smem:$0x3FFE];
	[sflag:s23] =	ssyncadd.s32 $0xFFFFFFFF  }
0xa9: {  	s26 =	simm.s32 $execute0_lowered;
	[smem:$0x3FD2] =	sst s25  }
0xaa: {  	s9 =	sshll.u32 s26, $0x1;
	_ =	strace $0x80000046;
	[dreg:$0x1] =	wrdreg $0xFFFFFFFF  }
0xab: {  	s28 =	simm.s32 $_size_execute0_lowered;
	s7 =	sadd.s32 s7, s9;
	[dreg:$0x0] =	wrdreg $0x0  }
0xac: {  	s9 =	sshll.u32 s28, $0x1;
	[dreg:$0x2] =	wrdreg s7  }
0xad: {  	[dreg:$0x3] =	wrdreg s9  }
0xae: {  	[dreg:$0x4] =	wrdreg $0xC0  }
0xaf: {  	_ =	task [dreg:s11], $0x5FFFF  }
0xb0: {  	[dreg:$0x1] =	wrdreg $0xFFFFFFFF  }
0xb1: {  	[dreg:$0x0] =	wrdreg $0x60  }
0xb2: {  	[dreg:$0x2] =	wrdreg s2  }
0xb3: {  	[dreg:$0x3] =	wrdreg s18  }
0xb4: {  	[dreg:$0x4] =	wrdreg s4  }
0xb5: {  	[dreg:$0x5] =	wrdreg s5  }
0xb6: {  	[dreg:$0x6] =	wrdreg s24  }
0xb7: {  	[dreg:$0x7] =	wrdreg s6  }
0xb8: {  	[dreg:$0x8] =	wrdreg $0x9  }
0xb9: {  	_ =	task.clear_ibuf [dreg:s11], $0x9FFFF;
	_ =	strace $0x90000046  }
0xba: {  	s29 =	simm.s32 $0x9;
	_ =	strace $0x80000048  }
0xbb: {  	_ =	swait.ge [sflag:s29], $0x1  }
0xbc: {  	[sflag:s29] =	ssyncadd.s32 $0xFFFFFFFF  }
0xbd: {  	_ =	strace $0x90000048  }
0xbe: {  	_ =	sfence  }
0xbf: {  	s30 =	sld [smem:$0x0];
	_ =	sdelay $0x2  }
0xc0: {  	s31 =	sshll.u32 s1, $0xD;
	s1 =	sshrl.u32 s1, $0x2  }
0xc1: {  	s3 =	sand.u32 $0x4000, s31;
	s1 =	sadd.s32 s1, s30  }
0xc2: {  	s0 =	sor.u32 s3, s0;
	s1 =	sshll.u32 s1, $0x11  }
0xc3: {  	s0 =	sor.u32 s1, s0  }
0xc4: {  	s0 =	sadd.s32 $0x8F2B, s0  }
0xc5: {  	[sflag:s0] =	ssyncadd.remote.s32 $0x1  }
0xc6: {  	_ =	sfence.sel $0xFFFF  }
0xc7: {  	[dreg:$0x0] =	wrdreg $0xFFFFFFFF;
	(pc) =	sbr.abs _section_cstart, $3  }
0xc8: {  	[dreg:$0x1] =	wrdreg $0xFFFFFFFF  }
0xc9: {  	_ =	task.clear_ibuf [dreg:s11], $0x2FFFF;
	_ =	strace $0x9FFFFFFF  }
0xca: {  	(tm) =	ssettm $0x7FFFFFFF  }
0xcb: {  	_ =	shalt  }
tec
execute0_lowered:
.L_overlay_start_1:
0x0: {  	(tag) =	ssettag $0x1  }
0x1: {  	s0 =	rddreg [dreg:$0x0]  }
0x2: {  	s1 =	rddreg [dreg:$0x1]  }
0x3: {  	s3 =	rddreg [dreg:$0x2]  }
0x4: {  	s4 =	rddreg [dreg:$0x3]  }
0x5: {  	s5 =	rddreg [dreg:$0x4]  }
0x6: {  	s6 =	rddreg [dreg:$0x5];
	s2 =	srdreg.scid  }
0x7: {  	s8 =	stileid.u32;
	s7 =	sand.u32 $0x1, s2;
	s2 =	simm.s32 $0x0  }
0x8: {  	s8 =	sshll.u32 s8, $0xA;
	s9 =	sshll.u32 s7, $0x9;
	[smem:$0x7FF] =	sst s2  }
0x9: {  	s5 =	sadd.s32 $0xE00, s5;
	s8 =	sor.u32 s9, s8;
	_ =	strace $0x80000047  }
0xa: {  	[smem:$0x7F7] =	sst s5;
	s10 =	sshrl.u32 s8, $0x3;
	s30 =	sadd.s32 s6, s8  }
0xb: {  	s0 =	sadd.s32 s0, s10;
	[smem:$0x7FC] =	sst s30  }
0xc: {  	s7 =	ssub.s32 $0x2, s7;
	s26 =	sadd.s32 s1, s10;
	[smem:$0x7F8] =	sst s0  }
0xd: {  	s24 =	sshrl.u32 s7, $0x1;
	s28 =	sadd.s32 s3, s10;
	[smem:$0x7F9] =	sst s26  }
0xe: {  	s25 =	ssub.s32 s7, s24;
	s29 =	sadd.s32 s4, s10;
	[smem:$0x7FA] =	sst s28  }
0xf: {  	s31 =	smax.u32 s25, $0x1;
	[smem:$0x7FB] =	sst s29  }
0x10: {  	s3 =	simm.s32 $0x1;
	s1 =	simm.s32 $0x0;
	[smem:$0x7FD] =	sst s31  }
.LBB2_1:
0x11: {  	s0 =	sld [smem:$0x7F7];
	_ =	sdelay $0x1  }
0x12: {  	[smem:$0x7F5] =	sst s1  }
0x13: {  	[tilespmem:s2], [sflag:$0x1] =	stream.linear.gather [hbm4b:s0+s2], $0x800, $0x38;
	[tilespmem:$0x3000] =	vst v63  }
0x14: {  	_ =	swait.ge [sflag:s3], $0x800  }
0x15: {  	s20 =	sld [smem:$0x7F8]  }
0x16: {  	[sflag:s3] =	ssyncset.done $0x0  }
0x17: {  	s19 =	simm.s32 $0x800;
	[sflag:s3] =	ssyncadd.s32 $0xFFFFF800  }
0x18: {  	[tilespmem:s19], [sflag:$0x1] =	stream.linear.gather [hbm4b:s20+s2], $0x200, $0x38;
	[tilespmem:$0x3000] =	vst v63  }
0x19: {  	_ =	swait.ge [sflag:s3], $0x200  }
0x1a: {  	s21 =	sld [smem:$0x7F9]  }
0x1b: {  	[sflag:s3] =	ssyncset.done $0x0  }
0x1c: {  	s6 =	simm.s32 $0xA00;
	[sflag:s3] =	ssyncadd.s32 $0xFFFFFE00  }
0x1d: {  	[tilespmem:s6], [sflag:$0x1] =	stream.linear.gather [hbm4b:s21+s2], $0x200, $0x38;
	[tilespmem:$0x3000] =	vst v63  }
0x1e: {  	_ =	swait.ge [sflag:s3], $0x200  }
0x1f: {  	s22 =	sld [smem:$0x7FA]  }
0x20: {  	[sflag:s3] =	ssyncset.done $0x0  }
0x21: {  	s7 =	simm.s32 $0xC00;
	[sflag:s3] =	ssyncadd.s32 $0xFFFFFE00  }
0x22: {  	[tilespmem:s7], [sflag:$0x1] =	stream.linear.gather [hbm4b:s22+s2], $0x200, $0x38;
	[tilespmem:$0x3000] =	vst v63  }
0x23: {  	_ =	swait.ge [sflag:s3], $0x200  }
0x24: {  	s23 =	sld [smem:$0x7FB]  }
0x25: {  	[sflag:s3] =	ssyncset.done $0x0  }
0x26: {  	s8 =	simm.s32 $0xE00;
	[sflag:s3] =	ssyncadd.s32 $0xFFFFFE00  }
0x27: {  	[tilespmem:s8], [sflag:$0x1] =	stream.linear.gather [hbm4b:s23+s2], $0x200, $0x38;
	[tilespmem:$0x3000] =	vst v63  }
0x28: {  	_ =	swait.ge [sflag:s3], $0x200  }
0x29: {  	s0 =	sand.u32 $0x40, s2;
	[sflag:s3] =	ssyncset.done $0x0  }
0x2a: {  	s24 =	sand.u32 $0x180, s2;
	[sflag:s3] =	ssyncadd.s32 $0xFFFFFE00;
	s3 =	sor.u32 $0x10, s0  }
0x2b: {  	s5 =	sor.u32 $0x30, s0;
	s9 =	sor.u32 s24, s3  }
0x2c: {  	s10 =	sor.u32 s24, s5;
	v1 =	vld [tilespmem:s9+$0x800]  }
0x2d: {  	v2 =	vld [tilespmem:s10+$0x800];
	_ =	sdelay $0x1  }
0x2e: {  	s4 =	sor.u32 $0x20, s0;
	v0 =	vld [tilespmem:s19+$0x0]  }
0x2f: {  	s25 =	sor.u32 s24, s4;
	v5 =	vld [tilespmem:s6+$0x0]  }
0x30: {  	v8 =	vld [tilespmem:s25+$0xA00];
	v9 =	vshll.u32 v1, $0x7  }
0x31: {  	v3 =	vld [tilespmem:s25+$0x800];
	v10 =	vshll.u32 v2, $0x7  }
0x32: {  	v4 =	vld [tilespmem:s10+$0xC00]  }
0x33: {  	v16 =	vld [tilespmem:s10+$0xA00]  }
0x34: {  	v18 =	vld [tilespmem:s25+$0xC00]  }
0x35: {  	v2 =	vld.idx.msk [tilespmem:v9+s2+$0x0], $0xffff  }
0x36: {  	v12 =	vor.u32 $0x1, v9;
	v6 =	vld.idx.msk [tilespmem:v10+s2+$0x0], $0xffff  }
0x37: {  	s1 =	sand.u32 $0xC00, s2;
	v7 =	vld [tilespmem:s9+$0xE00];
	v13 =	vor.u32 $0x1, v10  }
0x38: {  	s11 =	sor.u32 $0x1000, s1;
	v22 =	vld [tilespmem:s9+$0xC00];
	v14 =	vshll.u32 v3, $0x7  }
0x39: {  	s12 =	sor.u32 s3, s11;
	v15 =	vld [tilespmem:s9+$0xA00]  }
0x3a: {  	s26 =	sor.u32 s5, s11;
	v0 =	vshll.u32 v0, $0x7;
	v1 =	vld [tilespmem:s10+$0xE00];
	[tilespmem:s12+$0x0] =	vst v2  }
0x3b: {  	[tilespmem:s26+$0x0] =	vst v6;
	v2 =	vld.idx.msk [tilespmem:v12+s2+$0x0], $0xffff  }
0x3c: {  	v13 =	vld.idx.msk [tilespmem:v13+s2+$0x0], $0xffff;
	v12 =	vor.u32 $0x2, v9  }
0x3d: {  	v19 =	vor.u32 $0x2, v10;
	v17 =	vld.idx.msk [tilespmem:v14+s2+$0x0], $0xffff  }
0x3e: {  	v3 =	vld [tilespmem:s8+$0x0];
	v20 =	vor.u32 $0x1, v14  }
0x3f: {  	v11 =	vld.idx.msk [tilespmem:v0+s2+$0x0], $0xffff  }
0x40: {  	v21 =	vor.u32 $0x1, v0;
	[tilespmem:s12+$0x80] =	vst v2;
	v2 =	vld [tilespmem:s25+$0xE00]  }
0x41: {  	s8 =	sor.u32 s4, s11;
	[tilespmem:s26+$0x80] =	vst v13;
	v12 =	vld.idx.msk [tilespmem:v12+s2+$0x0], $0xffff  }
0x42: {  	v13 =	vor.u32 $0x3, v9;
	[tilespmem:s8+$0x0] =	vst v17;
	v17 =	vld.idx.msk [tilespmem:v19+s2+$0x0], $0xffff  }
0x43: {  	s13 =	sor.u32 s0, s11;
	v19 =	vld.idx.msk [tilespmem:v20+s2+$0x0], $0xffff;
	v20 =	vor.u32 $0x3, v10  }
0x44: {  	v6 =	vld [tilespmem:s7+$0x0];
	[tilespmem:s13+$0x0] =	vst v11;
	v11 =	vor.u32 $0x2, v14  }
0x45: {  	v21 =	vld.idx.msk [tilespmem:v21+s2+$0x0], $0xffff  }
0x46: {  	[tilespmem:s12+$0x100] =	vst v12;
	v12 =	vor.u32 $0x2, v0  }
0x47: {  	[tilespmem:s26+$0x100] =	vst v17;
	v13 =	vld.idx.msk [tilespmem:v13+s2+$0x0], $0xffff  }
0x48: {  	v17 =	vor.u32 $0x4, v9;
	[tilespmem:s8+$0x80] =	vst v19;
	v19 =	vld.idx.msk [tilespmem:v20+s2+$0x0], $0xffff  }
0x49: {  	v20 =	vor.u32 $0x4, v10;
	v11 =	vld.idx.msk [tilespmem:v11+s2+$0x0], $0xffff  }
0x4a: {  	v23 =	vor.u32 $0x3, v14;
	[tilespmem:s13+$0x80] =	vst v21  }
0x4b: {  	v12 =	vld.idx.msk [tilespmem:v12+s2+$0x0], $0xffff  }
0x4c: {  	p0 =	por $0x0, $0x0;
	s6 =	simm.s32 $0x1;
	[tilespmem:s12+$0x180] =	vst v13;
	v13 =	vor.u32 $0x3, v0  }
0x4d: {  	s6 =	simm.s32 @!p0 $0x0;
	[tilespmem:s26+$0x180] =	vst v19;
	v17 =	vld.idx.msk [tilespmem:v17+s2+$0x0], $0xffff  }
0x4e: {  	s6 =	sshll.u32 s6, $0x6;
	v19 =	vor.u32 $0x5, v9;
	[tilespmem:s8+$0x100] =	vst v11;
	v11 =	vld.idx.msk [tilespmem:v20+s2+$0x0], $0xffff  }
0x4f: {  	s6 =	sadd.s32 $0x0, s6;
	v21 =	vor.u32 $0x5, v10;
	v20 =	vld.idx.msk [tilespmem:v23+s2+$0x0], $0xffff  }
0x50: {  	s14 =	sadd.s32 $0x10, s6;
	v23 =	vor.u32 $0x4, v14;
	[tilespmem:s13+$0x100] =	vst v12  }
0x51: {  	s16 =	sadd.s32 $0x30, s6;
	s15 =	sor.u32 $0x200, s14;
	v12 =	vld.idx.msk [tilespmem:v13+s2+$0x0], $0xffff  }
0x52: {  	s17 =	sor.u32 $0x200, s16;
	v13 =	vor.u32 $0x4, v0;
	[tilespmem:s15+$0x1000] =	vst v17  }
0x53: {  	[tilespmem:s17+$0x1000] =	vst v11;
	v17 =	vld.idx.msk [tilespmem:v19+s2+$0x0], $0xffff  }
0x54: {  	v11 =	vor.u32 $0x6, v9;
	[tilespmem:s8+$0x180] =	vst v20;
	v19 =	vld.idx.msk [tilespmem:v21+s2+$0x0], $0xffff  }
0x55: {  	v20 =	vld.idx.msk [tilespmem:v23+s2+$0x0], $0xffff;
	v21 =	vor.u32 $0x6, v10  }
0x56: {  	[tilespmem:s13+$0x180] =	vst v12;
	v12 =	vor.u32 $0x5, v14  }
0x57: {  	s18 =	sor.u32 $0x280, s14;
	v13 =	vld.idx.msk [tilespmem:v13+s2+$0x0], $0xffff  }
0x58: {  	s19 =	sadd.s32 $0x20, s6;
	s20 =	sor.u32 $0x280, s16;
	[tilespmem:s18+$0x1000] =	vst v17;
	v17 =	vor.u32 $0x5, v0  }
0x59: {  	s21 =	sor.u32 $0x200, s19;
	[tilespmem:s20+$0x1000] =	vst v19;
	v11 =	vld.idx.msk [tilespmem:v11+s2+$0x0], $0xffff  }
0x5a: {  	v9 =	vor.u32 $0x7, v9;
	[tilespmem:s21+$0x1000] =	vst v20;
	v19 =	vld.idx.msk [tilespmem:v21+s2+$0x0], $0xffff  }
0x5b: {  	s22 =	sor.u32 $0x200, s6;
	v10 =	vor.u32 $0x7, v10;
	v12 =	vld.idx.msk [tilespmem:v12+s2+$0x0], $0xffff  }
0x5c: {  	[tilespmem:s22+$0x1000] =	vst v13;
	v13 =	vor.u32 $0x6, v14  }
0x5d: {  	s23 =	sor.u32 $0x300, s14;
	v17 =	vld.idx.msk [tilespmem:v17+s2+$0x0], $0xffff  }
0x5e: {  	s24 =	sor.u32 $0x300, s16;
	s22 =	simm.s32 $0x40;
	[tilespmem:s23+$0x1000] =	vst v11;
	v11 =	vor.u32 $0x6, v0  }
0x5f: {  	s25 =	sor.u32 $0x280, s19;
	[tilespmem:s24+$0x1000] =	vst v19;
	s23 =	sand.u32 $0x40, s22;
	v9 =	vld.idx.msk [tilespmem:v9+s2+$0x0], $0xffff  }
0x60: {  	s9 =	sor.u32 $0x380, s14;
	v26 =	vshll.u32 v15, $0x7;
	s14 =	sand.u32 $0x180, s22;
	v10 =	vld.idx.msk [tilespmem:v10+s2+$0x0], $0xffff;
	s24 =	sor.u32 $0x20, s23;
	[tilespmem:s25+$0x1000] =	vst v12  }
0x61: {  	v24 =	vshll.u32 v16, $0x7;
	v15 =	vor.u32 $0x8, v26;
	s26 =	sor.u32 $0x280, s6;
	s8 =	sor.u32 s14, s24;
	v13 =	vld.idx.msk [tilespmem:v13+s2+$0x0], $0xffff  }
0x62: {  	v12 =	vor.u32 $0x8, v24;
	v28 =	vld [tilespmem:s8+$0x800];
	[tilespmem:s26+$0x1000] =	vst v17  }
0x63: {  	v16 =	vld.idx.msk [tilespmem:v11+s2+$0x0], $0xffff  }
0x64: {  	s11 =	simm.s32 $0x840;
	s10 =	sor.u32 $0x380, s16;
	v11 =	vld [tilespmem:s8+$0xA00];
	[tilespmem:s9+$0x1000] =	vst v9  }
0x65: {  	[tilespmem:s10+$0x1000] =	vst v10;
	v10 =	vld [tilespmem:s11+$0x0]  }
0x66: {  	v9 =	vld.idx.msk [tilespmem:v15+s2+$0x0], $0xffff  }
0x67: {  	s13 =	simm.s32 $0xA40;
	s25 =	sor.u32 $0x30, s23;
	v19 =	vld.idx.msk [tilespmem:v12+s2+$0x0], $0xffff  }
0x68: {  	v14 =	vor.u32 $0x7, v14;
	s9 =	sor.u32 $0x10, s23;
	s10 =	sor.u32 s14, s25;
	v12 =	vld [tilespmem:s13+$0x0]  }
0x69: {  	s15 =	sor.u32 s14, s9;
	v15 =	vld [tilespmem:s10+$0xC00]  }
0x6a: {  	v20 =	vld [tilespmem:s15+$0x800]  }
0x6b: {  	s12 =	sor.u32 $0x300, s19;
	v17 =	vld [tilespmem:s15+$0xE00]  }
0x6c: {  	v25 =	vshll.u32 v5, $0x7;
	[tilespmem:s12+$0x1000] =	vst v13;
	v5 =	vld [tilespmem:s15+$0xC00]  }
0x6d: {  	v27 =	vshll.u32 v8, $0x7;
	s6 =	sor.u32 $0x300, s6;
	s17 =	sor.u32 $0x2000, s1;
	v8 =	vld.idx.msk [tilespmem:v14+s2+$0x0], $0xffff  }
0x6e: {  	v37 =	vor.u32 $0x9, v24;
	s18 =	sor.u32 s3, s17;
	[tilespmem:s6+$0x1000] =	vst v16;
	v16 =	vld [tilespmem:s10+$0xA00]  }
0x6f: {  	s14 =	sor.u32 s5, s17;
	v14 =	vor.u32 $0x7, v0;
	v0 =	vshll.u32 v10, $0x7;
	v10 =	vld [tilespmem:s10+$0x800];
	[tilespmem:s18+$0x0] =	vst v9  }
0x70: {  	s18 =	simm.s32 $0xC40;
	[tilespmem:s14+$0x0] =	vst v19;
	v19 =	vld [tilespmem:s8+$0xE00]  }
0x71: {  	v13 =	vor.u32 $0x8, v27;
	v9 =	vld [tilespmem:s18+$0x0]  }
0x72: {  	v23 =	vshll.u32 v20, $0x7;
	v20 =	vld [tilespmem:s15+$0xA00]  }
0x73: {  	v37 =	vld.idx.msk [tilespmem:v37+s2+$0x0], $0xffff  }
0x74: {  	s29 =	simm.s32 $0xE40;
	s7 =	sor.u32 $0x380, s19;
	v30 =	vld.idx.msk [tilespmem:v14+s2+$0x0], $0xffff  }
0x75: {  	[tilespmem:s7+$0x1000] =	vst v8;
	v8 =	vor.u32 $0x9, v26;
	v14 =	vld [tilespmem:s29+$0x0]  }
0x76: {  	v29 =	vld.idx.msk [tilespmem:v13+s2+$0x0], $0xffff  }
0x77: {  	v35 =	vor.u32 $0x8, v25;
	v31 =	vld.idx.msk [tilespmem:v0+s2+$0x0], $0xffff  }
0x78: {  	v13 =	vshll.u32 v28, $0x7;
	v21 =	vshll.u32 v10, $0x7;
	v10 =	vld [tilespmem:s10+$0xE00]  }
0x79: {  	s19 =	sor.u32 s2, s2;
	v34 =	vld.idx.msk [tilespmem:v23+s2+$0x0], $0xffff  }
0x7a: {  	s31 =	simm.s32 $0x200;
	v41 =	vor.u32 $0x9, v27;
	s13 =	sor.u32 $0x2080, s1;
	s6 =	sor.u32 $0x380, s19;
	v32 =	vld.idx.msk [tilespmem:v8+s2+$0x0], $0xffff  }
0x7b: {  	s16 =	sand.u32 $0xC00, s31;
	s19 =	sor.u32 s5, s13;
	v44 =	vor.u32 $0x1, v0;
	v8 =	vld [tilespmem:s8+$0xC00];
	[tilespmem:s6+$0x1000] =	vst v30  }
0x7c: {  	s20 =	sor.u32 $0x1000, s16;
	s26 =	sor.u32 s4, s17;
	v60 =	vor.u32 $0x1, v23;
	[tilespmem:s19+$0x0] =	vst v37;
	v35 =	vld.idx.msk [tilespmem:v35+s2+$0x0], $0xffff  }
0x7d: {  	v61 =	vor.u32 $0xA, v26;
	s12 =	sor.u32 s23, s20;
	v62 =	vld.idx.msk [tilespmem:v13+s2+$0x0], $0xffff;
	[tilespmem:s26+$0x0] =	vst v29  }
0x7e: {  	v63 =	vor.u32 $0x9, v25;
	s7 =	sor.u32 s9, s20;
	v33 =	vld.idx.msk [tilespmem:v21+s2+$0x0], $0xffff;
	[tilespmem:s12+$0x0] =	vst v31  }
0x7f: {  	s21 =	sor.u32 s3, s13;
	v36 =	vor.u32 $0x1, v21;
	v45 =	vld.idx.msk [tilespmem:v41+s2+$0x0], $0xffff;
	[tilespmem:s7+$0x0] =	vst v34  }
0x80: {  	s15 =	sor.u32 s0, s17;
	v38 =	vor.u32 $0x1, v13;
	v34 =	vld.idx.msk [tilespmem:v44+s2+$0x0], $0xffff;
	[tilespmem:s21+$0x0] =	vst v32  }
0x81: {  	v48 =	vor.u32 $0xA, v27;
	s8 =	sor.u32 s24, s20;
	v28 =	vld.idx.msk [tilespmem:v60+s2+$0x0], $0xffff;
	[tilespmem:s15+$0x0] =	vst v35  }
0x82: {  	v55 =	vor.u32 $0x2, v0;
	s6 =	sor.u32 s25, s20;
	v30 =	vld.idx.msk [tilespmem:v61+s2+$0x0], $0xffff;
	[tilespmem:s8+$0x0] =	vst v62  }
0x83: {  	v42 =	vor.u32 $0x2, v23;
	s21 =	sor.u32 s4, s13;
	[tilespmem:s6+$0x0] =	vst v33;
	v33 =	vld.idx.msk [tilespmem:v63+s2+$0x0], $0xffff  }
0x84: {  	v26 =	vor.u32 $0xB, v26;
	[tilespmem:s21+$0x0] =	vst v45;
	v40 =	vld.idx.msk [tilespmem:v36+s2+$0x0], $0xffff  }
0x85: {  	s10 =	sor.u32 $0x2100, s1;
	v43 =	vor.u32 $0x2, v21;
	v46 =	vld.idx.msk [tilespmem:v38+s2+$0x0], $0xffff;
	[tilespmem:s12+$0x80] =	vst v34  }
0x86: {  	v54 =	vor.u32 $0xA, v24;
	s17 =	sor.u32 s3, s10;
	v53 =	vld.idx.msk [tilespmem:v48+s2+$0x0], $0xffff;
	[tilespmem:s7+$0x80] =	vst v28  }
0x87: {  	v47 =	vor.u32 $0xA, v25;
	s20 =	sor.u32 s0, s13;
	v35 =	vld.idx.msk [tilespmem:v55+s2+$0x0], $0xffff;
	[tilespmem:s17+$0x0] =	vst v30  }
0x88: {  	v49 =	vor.u32 $0x2, v13;
	v29 =	vld.idx.msk [tilespmem:v42+s2+$0x0], $0xffff;
	[tilespmem:s20+$0x0] =	vst v33  }
0x89: {  	v22 =	vshll.u32 v22, $0x7;
	v50 =	vor.u32 $0x3, v23;
	v26 =	vld.idx.msk [tilespmem:v26+s2+$0x0], $0xffff;
	[tilespmem:s6+$0x80] =	vst v40  }
0x8a: {  	v51 =	vor.u32 $0xC, v22;
	s15 =	sor.u32 s4, s10;
	[tilespmem:s8+$0x80] =	vst v46;
	v31 =	vld.idx.msk [tilespmem:v43+s2+$0x0], $0xffff  }
0x8b: {  	v52 =	vor.u32 $0x3, v21;
	v30 =	vld.idx.msk [tilespmem:v54+s2+$0x0], $0xffff;
	[tilespmem:s15+$0x0] =	vst v53  }
0x8c: {  	v58 =	vor.u32 $0xB, v27;
	s11 =	sor.u32 $0x2180, s1;
	v36 =	vld.idx.msk [tilespmem:v47+s2+$0x0], $0xffff;
	[tilespmem:s12+$0x100] =	vst v35  }
0x8d: {  	v24 =	vor.u32 $0xB, v24;
	s26 =	sor.u32 s3, s11;
	v56 =	vld.idx.msk [tilespmem:v49+s2+$0x0], $0xffff;
	[tilespmem:s7+$0x100] =	vst v29  }
0x8e: {  	v59 =	vor.u32 $0x3, v13;
	v57 =	vld.idx.msk [tilespmem:v50+s2+$0x0], $0xffff;
	[tilespmem:s26+$0x0] =	vst v26  }
0x8f: {  	s14 =	sor.u32 s0, s10;
	v61 =	vor.u32 $0x4, v23;
	s10 =	sor.u32 s5, s10;
	v60 =	vld.idx.msk [tilespmem:v51+s2+$0x0], $0xffff;
	[tilespmem:s6+$0x100] =	vst v31  }
0x90: {  	v22 =	vor.u32 $0xD, v22;
	[tilespmem:s10+$0x0] =	vst v30;
	v62 =	vld.idx.msk [tilespmem:v52+s2+$0x0], $0xffff  }
0x91: {  	v63 =	vor.u32 $0x4, v21;
	v26 =	vld.idx.msk [tilespmem:v58+s2+$0x0], $0xffff;
	[tilespmem:s14+$0x0] =	vst v36  }
0x92: {  	v18 =	vshll.u32 v18, $0x7;
	v39 =	vor.u32 $0x3, v0;
	s13 =	sor.u32 $0x2200, s1;
	v24 =	vld.idx.msk [tilespmem:v24+s2+$0x0], $0xffff;
	[tilespmem:s8+$0x100] =	vst v56  }
0x93: {  	p0 =	por !p0, !p0;
	v41 =	vor.u32 $0xC, v18;
	s17 =	sor.u32 s3, s13;
	v27 =	vld.idx.msk [tilespmem:v59+s2+$0x0], $0xffff;
	[tilespmem:s7+$0x180] =	vst v57;
	s7 =	simm.s32 $0x1  }
0x94: {  	v42 =	vor.u32 $0x4, v13;
	v40 =	vld.idx.msk [tilespmem:v61+s2+$0x0], $0xffff;
	[tilespmem:s17+$0x0] =	vst v60;
	s7 =	simm.s32 @!p0 $0x0  }
0x95: {  	v7 =	vadd.s32 $0x1, v7;
	s20 =	sor.u32 s4, s11;
	v43 =	vor.u32 $0x5, v23;
	v22 =	vld.idx.msk [tilespmem:v22+s2+$0x0], $0xffff;
	s19 =	sshll.u32 s7, $0x6;
	[tilespmem:s6+$0x180] =	vst v62  }
0x96: {  	v25 =	vor.u32 $0xB, v25;
	vm0 =	vgt.s32 v7, $0x0;
	[tilespmem:s20+$0x0] =	vst v26;
	s20 =	sor.u32 s5, s11;
	s7 =	sadd.s32 $0x200, s19;
	v34 =	vld.idx.msk [tilespmem:v63+s2+$0x0], $0xffff  }
0x97: {  	v7 =	vnsel vm0, $0x0, v7;
	v44 =	vor.u32 $0x5, v21;
	v28 =	vld.idx.msk [tilespmem:v39+s2+$0x0], $0xffff;
	[tilespmem:s20+$0x0] =	vst v24;
	s10 =	sadd.s32 $0x10, s7  }
0x98: {  	v7 =	vmin.u32 v7, $0x2;
	v46 =	vld.idx.msk [tilespmem:v41+s2+$0x0], $0xffff;
	[tilespmem:s8+$0x180] =	vst v27;
	s19 =	sor.u32 $0x2280, s1;
	s21 =	sor.u32 $0x200, s10  }
0x99: {  	v7 =	vshll.u32 v7, $0x7;
	s14 =	sor.u32 s5, s13;
	v48 =	vld.idx.msk [tilespmem:v42+s2+$0x0], $0xffff;
	s26 =	sor.u32 s3, s19;
	s6 =	sadd.s32 $0x30, s7;
	[tilespmem:s21+$0x1000] =	vst v40  }
0x9a: {  	v45 =	vor.u32 $0xE, v7;
	s17 =	sor.u32 s0, s11;
	s15 =	sor.u32 $0x200, s6;
	v49 =	vld.idx.msk [tilespmem:v43+s2+$0x0], $0xffff;
	[tilespmem:s26+$0x0] =	vst v22;
	s26 =	sor.u32 $0x2300, s1  }
0x9b: {  	s8 =	sor.u32 s0, s13;
	s11 =	sor.u32 s0, s19;
	v22 =	vld.idx.msk [tilespmem:v25+s2+$0x0], $0xffff;
	s20 =	sor.u32 s0, s26;
	[tilespmem:s15+$0x1000] =	vst v34  }
0x9c: {  	v47 =	vor.u32 $0x4, v0;
	s21 =	sor.u32 s4, s13;
	s13 =	sor.u32 s5, s19;
	v30 =	vld.idx.msk [tilespmem:v44+s2+$0x0], $0xffff;
	[dreg:$0x7] =	wrdreg s20  }
0x9d: {  	v4 =	vshll.u32 v4, $0x7;
	v18 =	vor.u32 $0xD, v18;
	s15 =	sor.u32 s4, s19;
	s19 =	sor.u32 $0x2380, s1;
	s1 =	sadd.s32 $0x20, s7;
	[tilespmem:s12+$0x180] =	vst v28  }
0x9e: {  	v50 =	vor.u32 $0xC, v4;
	s20 =	sor.u32 s3, s26;
	[tilespmem:s21+$0x0] =	vst v46;
	s12 =	sor.u32 s4, s26;
	s26 =	sor.u32 s5, s26  }
0x9f: {  	v51 =	vor.u32 $0x6, v23;
	v26 =	vld.idx.msk [tilespmem:v45+s2+$0x0], $0xffff;
	[dreg:$0x9] =	wrdreg s26;
	s26 =	sor.u32 $0x200, s1  }
0xa0: {  	s4 =	sor.u32 s4, s19;
	[tilespmem:s26+$0x1000] =	vst v48  }
0xa1: {  	v3 =	vadd.s32 $0x1, v3;
	v53 =	vld.idx.msk [tilespmem:v47+s2+$0x0], $0xffff;
	s26 =	sor.u32 $0x280, s10;
	[dreg:$0x8] =	wrdreg s4  }
0xa2: {  	vm9 =	vgt.s32 v3, $0x0;
	s21 =	sor.u32 s5, s19;
	s5 =	sor.u32 s0, s19;
	s0 =	sor.u32 $0x2000, s16;
	v18 =	vld.idx.msk [tilespmem:v18+s2+$0x0], $0xffff;
	[tilespmem:s26+$0x1000] =	vst v49  }
0xa3: {  	v3 =	vnsel vm9, $0x0, v3;
	v6 =	vshll.u32 v6, $0x7;
	s3 =	sor.u32 s3, s19;
	s19 =	sor.u32 s9, s0;
	v25 =	vld.idx.msk [tilespmem:v50+s2+$0x0], $0xffff;
	[tilespmem:s17+$0x0] =	vst v22  }
0xa4: {  	v52 =	vor.u32 $0xC, v6;
	v22 =	vmin.u32 v3, $0x2;
	s26 =	sor.u32 s24, s0;
	v3 =	vld.idx.msk [tilespmem:v51+s2+$0x0], $0xffff;
	[dreg:$0x1a] =	wrdreg s19  }
0xa5: {  	v54 =	vor.u32 $0x6, v21;
	s17 =	sor.u32 $0x280, s6;
	[dreg:$0x19] =	wrdreg s26  }
0xa6: {  	s19 =	sor.u32 s23, s0;
	[tilespmem:s17+$0x1000] =	vst v30  }
0xa7: {  	s0 =	sor.u32 s25, s0;
	[dreg:$0xa] =	wrdreg s19  }
0xa8: {  	s26 =	sor.u32 $0x2080, s16;
	[dreg:$0x1b] =	wrdreg s0  }
0xa9: {  	v7 =	vor.u32 $0xF, v7;
	s17 =	sor.u32 s9, s26;
	v28 =	vld.idx.msk [tilespmem:v52+s2+$0x0], $0xffff;
	[tilespmem:s20+$0x0] =	vst v26  }
0xaa: {  	v55 =	vor.u32 $0x5, v0;
	s19 =	sor.u32 s23, s26;
	v57 =	vld.idx.msk [tilespmem:v54+s2+$0x0], $0xffff;
	[dreg:$0xc] =	wrdreg s17  }
0xab: {  	s20 =	sor.u32 $0x200, s7;
	[smem:$0x7F6] =	sst s19  }
0xac: {  	s0 =	sor.u32 s24, s26;
	[tilespmem:s20+$0x1000] =	vst v53  }
0xad: {  	s17 =	sor.u32 s25, s26;
	s26 =	sor.u32 $0x2100, s16;
	[dreg:$0xe] =	wrdreg s0  }
0xae: {  	v56 =	vor.u32 $0x5, v13;
	s19 =	sor.u32 s9, s26;
	v7 =	vld.idx.msk [tilespmem:v7+s2+$0x0], $0xffff;
	[tilespmem:s15+$0x0] =	vst v18  }
0xaf: {  	v2 =	vadd.s32 $0x1, v2;
	v4 =	vor.u32 $0xD, v4;
	s20 =	sor.u32 s24, s26;
	v18 =	vld.idx.msk [tilespmem:v55+s2+$0x0], $0xffff;
	[dreg:$0xd] =	wrdreg s19  }
0xb0: {  	vm10 =	vgt.s32 v2, $0x0;
	[dreg:$0xb] =	wrdreg s20  }
0xb1: {  	v2 =	vnsel vm10, $0x0, v2;
	s0 =	sor.u32 s25, s26;
	s15 =	sor.u32 s23, s26;
	[tilespmem:s14+$0x0] =	vst v25  }
0xb2: {  	v2 =	vmin.u32 v2, $0x2;
	s26 =	sor.u32 $0x2180, s16;
	s14 =	sor.u32 $0x300, s10;
	[dreg:$0xf] =	wrdreg s0  }
0xb3: {  	v58 =	vshll.u32 v2, $0x7;
	v2 =	vshll.u32 v12, $0x7;
	v23 =	vor.u32 $0x7, v23;
	s19 =	sor.u32 s9, s26;
	v12 =	vld.idx.msk [tilespmem:v56+s2+$0x0], $0xffff;
	[tilespmem:s14+$0x1000] =	vst v3  }
0xb4: {  	v1 =	vadd.s32 $0x1, v1;
	v6 =	vor.u32 $0xD, v6;
	s20 =	sor.u32 s24, s26;
	v61 =	vld.idx.msk [tilespmem:v4+s2+$0x0], $0xffff;
	[dreg:$0x11] =	wrdreg s19  }
0xb5: {  	vm11 =	vgt.s32 v1, $0x0;
	[dreg:$0x10] =	wrdreg s20  }
0xb6: {  	v1 =	vnsel vm11, $0x0, v1;
	s0 =	sor.u32 s25, s26;
	s14 =	sor.u32 s23, s26;
	[tilespmem:s8+$0x0] =	vst v28  }
0xb7: {  	v1 =	vmin.u32 v1, $0x2;
	s26 =	sor.u32 $0x2200, s16;
	s8 =	sor.u32 $0x300, s6;
	[dreg:$0x12] =	wrdreg s0  }
0xb8: {  	v21 =	vor.u32 $0x7, v21;
	v59 =	vshll.u32 v1, $0x7;
	v1 =	vshll.u32 v15, $0x7;
	s19 =	sor.u32 s9, s26;
	v15 =	vld.idx.msk [tilespmem:v23+s2+$0x0], $0xffff;
	[tilespmem:s8+$0x1000] =	vst v57  }
0xb9: {  	v60 =	vor.u32 $0xE, v58;
	s20 =	sor.u32 s24, s26;
	v6 =	vld.idx.msk [tilespmem:v6+s2+$0x0], $0xffff;
	[dreg:$0x13] =	wrdreg s19  }
0xba: {  	[dreg:$0x14] =	wrdreg s20  }
0xbb: {  	s0 =	sor.u32 s25, s26;
	s8 =	sor.u32 s23, s26;
	[tilespmem:s3+$0x0] =	vst v7  }
0xbc: {  	s26 =	sor.u32 $0x280, s7;
	[dreg:$0x15] =	wrdreg s0;
	s0 =	sor.u32 $0x2280, s16  }
0xbd: {  	v3 =	vshll.u32 v11, $0x7;
	v11 =	vadd.s32 $0x1, v17;
	v17 =	vor.u32 $0x6, v0;
	v21 =	vld.idx.msk [tilespmem:v21+s2+$0x0], $0xffff;
	[tilespmem:s26+$0x1000] =	vst v18;
	s4 =	sor.u32 s9, s0  }
0xbe: {  	v23 =	vor.u32 $0x6, v13;
	s20 =	sor.u32 $0x280, s1;
	v24 =	vld.idx.msk [tilespmem:v60+s2+$0x0], $0xffff;
	[dreg:$0x16] =	wrdreg s4  }
0xbf: {  	v19 =	vadd.s32 $0x1, v19;
	s26 =	sor.u32 s24, s0;
	[tilespmem:s20+$0x1000] =	vst v12  }
0xc0: {  	vm15 =	vgt.s32 v19, $0x0;
	v4 =	vshll.u32 v20, $0x7;
	v20 =	vor.u32 $0xE, v59;
	s19 =	sor.u32 s23, s0;
	s0 =	sor.u32 s25, s0;
	[dreg:$0x17] =	wrdreg s26  }
0xc1: {  	v14 =	vadd.s32 $0x1, v14;
	v22 =	vshll.u32 v22, $0x7;
	v62 =	vor.u32 $0x8, v4;
	s3 =	sor.u32 $0x2300, s16;
	[dreg:$0x18] =	wrdreg s0  }
0xc2: {  	vm13 =	vgt.s32 v14, $0x0;
	v7 =	vshll.u32 v16, $0x7;
	v16 =	vor.u32 $0xE, v22;
	s20 =	sor.u32 s23, s3;
	v17 =	vld.idx.msk [tilespmem:v17+s2+$0x0], $0xffff;
	[tilespmem:s13+$0x0] =	vst v61  }
0xc3: {  	v10 =	vadd.s32 $0x1, v10;
	vm12 =	vgt.s32 v11, $0x0;
	v63 =	vor.u32 $0x8, v7;
	s26 =	sor.u32 $0x2380, s16;
	s16 =	sor.u32 $0x380, s10;
	v18 =	vld.idx.msk [tilespmem:v23+s2+$0x0], $0xffff;
	[dreg:$0x1d] =	wrdreg s20  }
0xc4: {  	vm14 =	vgt.s32 v10, $0x0;
	v11 =	vnsel vm12, $0x0, v11;
	s28 =	sor.u32 s25, s3;
	v23 =	vor.u32 $0xF, v58;
	[tilespmem:s16+$0x1000] =	vst v15  }
0xc5: {  	v8 =	vshll.u32 v8, $0x7;
	v11 =	vmin.u32 v11, $0x2;
	s4 =	sor.u32 s24, s3;
	v12 =	vnsel vm13, $0x0, v14;
	s0 =	sor.u32 $0x300, s1;
	s25 =	sor.u32 s25, s26;
	v14 =	vld.idx.msk [tilespmem:v20+s2+$0x0], $0xffff;
	[tilespmem:s11+$0x0] =	vst v6  }
0xc6: {  	s30 =	sor.u32 s24, s26;
	s24 =	sor.u32 $0x380, s6;
	v15 =	vnsel vm14, $0x0, v10;
	v10 =	vshll.u32 v9, $0x7;
	v9 =	vnsel vm15, $0x0, v19;
	v20 =	vld.idx.msk [tilespmem:v62+s2+$0x0], $0xffff;
	[dreg:$0x1e] =	wrdreg s25  }
0xc7: {  	s13 =	sor.u32 s9, s3;
	s10 =	sor.u32 s9, s26;
	v6 =	vmin.u32 v12, $0x2;
	s16 =	sor.u32 s23, s26;
	v19 =	vmin.u32 v15, $0x2;
	v9 =	vmin.u32 v9, $0x2;
	[tilespmem:s24+$0x1000] =	vst v21;
	v15 =	vld.idx.msk [tilespmem:v16+s2+$0x0], $0xffff  }
0xc8: {  	s11 =	sor.u32 s31, s22;
	v12 =	vshll.u32 v5, $0x7;
	s26 =	sor.u32 $0x300, s7;
	s7 =	simm.s32 $0x4;
	[tilespmem:s12+$0x0] =	vst v24;
	v5 =	vshll.u32 v19, $0x7;
	v9 =	vshll.u32 v9, $0x7;
	v21 =	vld.idx.msk [tilespmem:v63+s2+$0x0], $0xffff  }
0xc9: {  	s25 =	simm.s32 $0x80;
	s24 =	simm.s32 $0xA80;
	v19 =	vor.u32 $0xF, v22;
	v22 =	vor.u32 $0x7, v13;
	v16 =	vor.u32 $0xF, v59;
	[tilespmem:s26+$0x1000] =	vst v17;
	v13 =	vld.idx.msk [tilespmem:v23+s2+$0x0], $0xffff;
	s26 =	simm.s32 $0x880  }
.LBB2_2:
0xca: {  	[smem:$0x7E3] =	sst s17  }
0xcb: {  	[smem:$0x7EE] =	sst s8  }
0xcc: {  	[smem:$0x7F0] =	sst s10  }
0xcd: {  	[smem:$0x7F3] =	sst s19  }
0xce: {  	[smem:$0x7EB] =	sst s13  }
0xcf: {  	[dreg:$0x1f] =	wrdreg s4  }
0xd0: {  	s22 =	rddreg [dreg:$0x9]  }
0xd1: {  	s13 =	sand.u32 $0x40, s25;
	v17 =	vld [tilespmem:s24+$0x0];
	s6 =	rddreg [dreg:$0x1a];
	[tilespmem:s0+$0x1000] =	vst v18  }
0xd2: {  	v23 =	vld [tilespmem:s26+$0x0];
	s3 =	sand.u32 $0x180, s25;
	s23 =	rddreg [dreg:$0x7];
	s20 =	sor.u32 $0x20, s13;
	[tilespmem:s22+$0x0] =	vst v14  }
0xd3: {  	s8 =	rddreg [dreg:$0x1b];
	s22 =	sor.u32 s3, s20;
	[tilespmem:s6+$0x0] =	vst v20;
	v14 =	vld.idx.msk [tilespmem:v22+s2+$0x0], $0xffff  }
0xd4: {  	s7 =	sadd.s32 $0x4, s7;
	s4 =	rddreg [dreg:$0x1d];
	s9 =	sor.u32 $0x10, s13;
	v20 =	vld [tilespmem:s22+$0xA00];
	[tilespmem:s8+$0x0] =	vst v21  }
0xd5: {  	s10 =	smov.u32 s28;
	s17 =	rddreg [dreg:$0x8];
	s0 =	sor.u32 s3, s9;
	v16 =	vld.idx.msk [tilespmem:v16+s2+$0x0], $0xffff  }
0xd6: {  	s19 =	smov.u32 s30;
	[dreg:$0x1c] =	wrdreg s7;
	s12 =	sor.u32 $0x30, s13;
	[tilespmem:s23+$0x0] =	vst v15;
	v21 =	vor.u32 $0x7, v0;
	v18 =	vshll.u32 v17, $0x7;
	v17 =	vld [tilespmem:s0+$0x800]  }
0xd7: {  	s31 =	sadd.s32 $0x200, s31;
	[dreg:$0x9] =	wrdreg s10;
	s3 =	sor.u32 s3, s12;
	v15 =	vor.u32 $0x8, v3;
	[tilespmem:s17+$0x0] =	vst v13;
	v13 =	vld.idx.msk [tilespmem:v19+s2+$0x0], $0xffff  }
0xd8: {  	p1 =	slt.u32 s7, $0x1C;
	s7 =	smov.u32 s4;
	[dreg:$0x8] =	wrdreg s19;
	v0 =	vshll.u32 v23, $0x7;
	v19 =	vld [tilespmem:s3+$0x800]  }
0xd9: {  	s28 =	sand.u32 $0xC00, s31;
	[dreg:$0x7] =	wrdreg s7;
	s7 =	sor.u32 s31, s25;
	v23 =	vld [tilespmem:s22+$0x800]  }
0xda: {  	s1 =	sor.u32 $0x380, s1;
	[smem:$0x7E5] =	sst s7;
	s17 =	sor.u32 $0x2000, s28;
	v29 =	vld [tilespmem:s0+$0xC00]  }
0xdb: {  	s6 =	rddreg [dreg:$0x19];
	s19 =	sor.u32 s9, s17;
	[tilespmem:s1+$0x1000] =	vst v14;
	v25 =	vld.idx.msk [tilespmem:v21+s2+$0x0], $0xffff  }
0xdc: {  	s29 =	sadd.s32 $0x40, s29;
	s18 =	sadd.s32 $0x40, s18;
	[dreg:$0x1a] =	wrdreg s19;
	v22 =	vshll.u32 v20, $0x7;
	v20 =	vor.u32 $0x9, v4;
	v24 =	vld.idx.msk [tilespmem:v15+s2+$0x0], $0xffff;
	[tilespmem:s21+$0x0] =	vst v16  }
0xdd: {  	s4 =	sor.u32 $0x380, s11;
	s21 =	rddreg [dreg:$0x1e];
	v21 =	vld.idx.msk [tilespmem:v0+s2+$0x0], $0xffff;
	[tilespmem:s5+$0x0] =	vst v13;
	s5 =	smov.u32 s16  }
0xde: {  	s10 =	sor.u32 $0x2080, s28;
	v13 =	vld [tilespmem:s0+$0xE00];
	s16 =	sor.u32 s12, s17;
	[smem:$0x7F2] =	sst s5  }
0xdf: {  	s8 =	sor.u32 $0x1000, s28;
	v14 =	vshll.u32 v19, $0x7;
	s23 =	smov.u32 s21;
	v16 =	vld [tilespmem:s3+$0xC00];
	[dreg:$0x1b] =	wrdreg s16  }
0xe0: {  	s11 =	sor.u32 s9, s8;
	v19 =	vld [tilespmem:s29+$0x0];
	s21 =	sor.u32 s20, s17;
	[smem:$0x7E2] =	sst s23  }
0xe1: {  	s7 =	sor.u32 s20, s8;
	s19 =	sor.u32 s12, s8;
	v15 =	vshll.u32 v17, $0x7;
	[dreg:$0x19] =	wrdreg s21;
	v17 =	vld.idx.msk [tilespmem:v20+s2+$0x0], $0xffff  }
0xe2: {  	s1 =	sor.u32 s13, s8;
	s8 =	sor.u32 s9, s10;
	v48 =	vld [tilespmem:s18+$0x0];
	s23 =	rddreg [dreg:$0xc]  }
0xe3: {  	s30 =	sor.u32 s13, s17;
	s17 =	sor.u32 $0x2100, s28;
	v49 =	vld [tilespmem:s3+$0xA00];
	[dreg:$0xc] =	wrdreg s8;
	[tilespmem:s6+$0x0] =	vst v24;
	v13 =	vadd.s32 $0x1, v13  }
0xe4: {  	s8 =	sor.u32 s13, s10;
	s21 =	sor.u32 s9, s17;
	v26 =	vld.idx.msk [tilespmem:v14+s2+$0x0], $0xffff;
	[tilespmem:s1+$0x0] =	vst v21;
	s6 =	sor.u32 s13, s17;
	vm0 =	vgt.s32 v13, $0x0  }
0xe5: {  	[smem:$0x7E4] =	sst s6;
	[tilespmem:s4+$0x1000] =	vst v25;
	s6 =	sor.u32 s20, s17;
	v30 =	vnsel vm0, $0x0, v13;
	v13 =	vshll.u32 v23, $0x7;
	v23 =	vld [tilespmem:s3+$0xE00];
	s3 =	sor.u32 $0x2180, s28  }
0xe6: {  	v27 =	vld.idx.msk [tilespmem:v15+s2+$0x0], $0xffff;
	s4 =	smov.u32 s15;
	s16 =	sor.u32 s20, s3;
	[tilespmem:s23+$0x0] =	vst v17;
	s23 =	sor.u32 s12, s10  }
0xe7: {  	[smem:$0x7E7] =	sst s16;
	v31 =	vld [tilespmem:s0+$0xA00];
	s0 =	sor.u32 s20, s10;
	s10 =	sor.u32 s12, s17  }
0xe8: {  	v32 =	vor.u32 $0x1, v14;
	s15 =	sor.u32 s9, s3;
	s17 =	sor.u32 s13, s3;
	[smem:$0x7E6] =	sst s10  }
0xe9: {  	v28 =	vor.u32 $0x8, v2;
	s3 =	sor.u32 s12, s3;
	s10 =	sor.u32 $0x2200, s28;
	[smem:$0x7EA] =	sst s17  }
0xea: {  	[smem:$0x7E8] =	sst s3;
	s16 =	sor.u32 s13, s10  }
0xeb: {  	s5 =	sor.u32 s9, s10;
	s17 =	sor.u32 s20, s10;
	[smem:$0x7EF] =	sst s16  }
0xec: {  	v52 =	vor.u32 $0x9, v7;
	v20 =	vld [tilespmem:s22+$0xC00];
	[tilespmem:s19+$0x0] =	vst v26;
	s10 =	sor.u32 s12, s10;
	s16 =	sor.u32 $0x2280, s28;
	[smem:$0x7E9] =	sst s17  }
0xed: {  	v17 =	vor.u32 $0x1, v15;
	v32 =	vld.idx.msk [tilespmem:v32+s2+$0x0], $0xffff;
	[smem:$0x7ED] =	sst s10;
	s17 =	sor.u32 s13, s16  }
0xee: {  	v50 =	vor.u32 $0xA, v4;
	v51 =	vld.idx.msk [tilespmem:v28+s2+$0x0], $0xffff;
	s3 =	sor.u32 s9, s16;
	[smem:$0x7F4] =	sst s17;
	s17 =	sor.u32 s20, s16  }
0xef: {  	v56 =	vor.u32 $0x2, v14;
	v54 =	vld.idx.msk [tilespmem:v13+s2+$0x0], $0xffff;
	s16 =	sor.u32 s12, s16;
	[smem:$0x7EC] =	sst s17;
	s17 =	sor.u32 $0x2300, s28  }
0xf0: {  	v34 =	vor.u32 $0x9, v3;
	v37 =	vld [tilespmem:s22+$0xE00];
	[smem:$0x7F1] =	sst s16;
	s16 =	sor.u32 s13, s17  }
0xf1: {  	v35 =	vor.u32 $0x1, v13;
	[tilespmem:s11+$0x0] =	vst v27;
	v28 =	vld.idx.msk [tilespmem:v52+s2+$0x0], $0xffff;
	[dreg:$0x1d] =	wrdreg s16  }
0xf2: {  	v33 =	vld.idx.msk [tilespmem:v17+s2+$0x0], $0xffff;
	v17 =	vadd.s32 $0x1, v23;
	v23 =	vor.u32 $0x9, v2;
	[tilespmem:s19+$0x80] =	vst v32;
	s10 =	sor.u32 s9, s17;
	s22 =	sor.u32 s20, s17;
	s16 =	rddreg [dreg:$0xa]  }
0xf3: {  	v36 =	vor.u32 $0x2, v15;
	v25 =	vld.idx.msk [tilespmem:v50+s2+$0x0], $0xffff;
	[tilespmem:s16+$0x0] =	vst v51;
	s16 =	sor.u32 $0x2380, s28;
	s28 =	sor.u32 s12, s17;
	s17 =	smov.u32 s30  }
0xf4: {  	v53 =	vshll.u32 v29, $0x7;
	[tilespmem:s7+$0x0] =	vst v54;
	v29 =	vld.idx.msk [tilespmem:v56+s2+$0x0], $0xffff;
	[dreg:$0xa] =	wrdreg s17;
	s9 =	sor.u32 s9, s16;
	s30 =	sor.u32 s20, s16  }
0xf5: {  	v57 =	vor.u32 $0x1, v0;
	v58 =	vld.idx.msk [tilespmem:v34+s2+$0x0], $0xffff;
	s12 =	sor.u32 s12, s16;
	s16 =	sor.u32 s13, s16;
	s13 =	rddreg [dreg:$0xd]  }
0xf6: {  	v55 =	vor.u32 $0xB, v4;
	v59 =	vld.idx.msk [tilespmem:v35+s2+$0x0], $0xffff;
	s17 =	smov.u32 s21;
	s20 =	sld [smem:$0x7E3]  }
0xf7: {  	v44 =	vor.u32 $0x3, v14;
	[tilespmem:s11+$0x80] =	vst v33;
	v23 =	vld.idx.msk [tilespmem:v23+s2+$0x0], $0xffff;
	[dreg:$0xd] =	wrdreg s17  }
0xf8: {  	v60 =	vor.u32 $0xA, v2;
	v61 =	vld.idx.msk [tilespmem:v36+s2+$0x0], $0xffff;
	[tilespmem:s13+$0x0] =	vst v25;
	s17 =	smov.u32 s23;
	s23 =	sld [smem:$0x7F6]  }
0xf9: {  	v62 =	vor.u32 $0xA, v3;
	[tilespmem:s20+$0x0] =	vst v28;
	s20 =	rddreg [dreg:$0xe]  }
0xfa: {  	v38 =	vor.u32 $0x3, v15;
	v41 =	vld.idx.msk [tilespmem:v57+s2+$0x0], $0xffff;
	[tilespmem:s20+$0x0] =	vst v58  }
0xfb: {  	v40 =	vor.u32 $0x2, v13;
	v31 =	vshll.u32 v31, $0x7;
	[dreg:$0x1e] =	wrdreg s12;
	v26 =	vld.idx.msk [tilespmem:v55+s2+$0x0], $0xffff;
	[tilespmem:s19+$0x100] =	vst v29  }
0xfc: {  	v45 =	vor.u32 $0xA, v7;
	v4 =	vmov v31;
	s12 =	rddreg [dreg:$0x11];
	[tilespmem:s23+$0x0] =	vst v23;
	v31 =	vld.idx.msk [tilespmem:v44+s2+$0x0], $0xffff  }
0xfd: {  	v43 =	vor.u32 $0xC, v12;
	s13 =	smov.u32 s8;
	s8 =	rddreg [dreg:$0x13];
	[tilespmem:s7+$0x80] =	vst v59;
	v32 =	vld.idx.msk [tilespmem:v60+s2+$0x0], $0xffff  }
0xfe: {  	v54 =	vor.u32 $0x4, v14;
	[smem:$0x7F6] =	sst s13;
	s13 =	smov.u32 s15;
	[tilespmem:s11+$0x100] =	vst v61;
	v25 =	vld.idx.msk [tilespmem:v62+s2+$0x0], $0xffff  }
0xff: {  	v46 =	vor.u32 $0x2, v0;
	v21 =	vshll.u32 v48, $0x7;
	[dreg:$0x11] =	wrdreg s13;
	v48 =	vld.idx.msk [tilespmem:v38+s2+$0x0], $0xffff;
	[tilespmem:s1+$0x80] =	vst v41  }
0x100: {  	v51 =	vor.u32 $0x4, v15;
	s13 =	rddreg [dreg:$0xf];
	s23 =	smov.u32 s0;
	v47 =	vld.idx.msk [tilespmem:v40+s2+$0x0], $0xffff;
	[tilespmem:s12+$0x0] =	vst v26  }
0x101: {  	v24 =	vmin.u32 v30, $0x2;
	v30 =	vshll.u32 v49, $0x7;
	v49 =	vor.u32 $0xB, v3;
	v33 =	vld.idx.msk [tilespmem:v45+s2+$0x0], $0xffff;
	[dreg:$0xe] =	wrdreg s23;
	[tilespmem:s19+$0x180] =	vst v31  }
0x102: {  	p0 =	por !p0, !p0;
	v3 =	vmov v22;
	v22 =	vor.u32 $0x3, v13;
	s0 =	simm.s32 $0x1;
	s23 =	rddreg [dreg:$0xb];
	v50 =	vld.idx.msk [tilespmem:v43+s2+$0x0], $0xffff;
	[tilespmem:s4+$0x0] =	vst v32  }
0x103: {  	v55 =	vor.u32 $0xB, v7;
	s20 =	sld [smem:$0x7E4];
	s0 =	simm.s32 @!p0 $0x0;
	[tilespmem:s23+$0x0] =	vst v25;
	v34 =	vld.idx.msk [tilespmem:v54+s2+$0x0], $0xffff  }
0x104: {  	v52 =	vor.u32 $0xD, v12;
	v12 =	vmov v53;
	s0 =	sshll.u32 s0, $0x6;
	s19 =	sld [smem:$0x7E6];
	s4 =	smov.u32 s6;
	[tilespmem:s11+$0x180] =	vst v48;
	v53 =	vld.idx.msk [tilespmem:v46+s2+$0x0], $0xffff  }
0x105: {  	v38 =	vor.u32 $0x5, v14;
	s12 =	smov.u32 s5;
	[dreg:$0xb] =	wrdreg s4;
	[tilespmem:s7+$0x100] =	vst v47;
	v28 =	vld.idx.msk [tilespmem:v51+s2+$0x0], $0xffff;
	s4 =	sadd.s32 s0, s31  }
0x106: {  	v56 =	vor.u32 $0x3, v0;
	s15 =	smov.u32 s20;
	[dreg:$0x13] =	wrdreg s12;
	[tilespmem:s13+$0x0] =	vst v33;
	v25 =	vld.idx.msk [tilespmem:v49+s2+$0x0], $0xffff;
	s5 =	sadd.s32 $0x30, s4  }
0x107: {  	v61 =	vor.u32 $0x5, v15;
	s23 =	rddreg [dreg:$0x10];
	v22 =	vld.idx.msk [tilespmem:v22+s2+$0x0], $0xffff;
	[tilespmem:s8+$0x0] =	vst v50;
	s20 =	smov.u32 s19;
	s19 =	sor.u32 $0x200, s5  }
0x108: {  	v62 =	vor.u32 $0xB, v2;
	v2 =	vmov v18;
	v18 =	vld.idx.msk [tilespmem:v55+s2+$0x0], $0xffff;
	s0 =	sld [smem:$0x7E7];
	s6 =	sadd.s32 $0x10, s4;
	[tilespmem:s19+$0x1000] =	vst v34  }
0x109: {  	v63 =	vadd.s32 $0x1, v37;
	v58 =	vor.u32 $0xC, v8;
	s8 =	sld [smem:$0x7E8];
	v60 =	vld.idx.msk [tilespmem:v52+s2+$0x0], $0xffff;
	s13 =	sor.u32 $0x200, s6;
	[tilespmem:s1+$0x100] =	vst v53  }
0x10a: {  	vm15 =	vgt.s32 v63, $0x0;
	v59 =	vor.u32 $0x4, v13;
	[dreg:$0xf] =	wrdreg s20;
	[tilespmem:s13+$0x1000] =	vst v28;
	v27 =	vld.idx.msk [tilespmem:v38+s2+$0x0], $0xffff  }
0x10b: {  	v39 =	vshll.u32 v11, $0x7;
	v42 =	vnsel vm15, $0x0, v63;
	s20 =	rddreg [dreg:$0x16];
	s12 =	smov.u32 s0;
	v63 =	vld.idx.msk [tilespmem:v56+s2+$0x0], $0xffff;
	[tilespmem:s23+$0x0] =	vst v25  }
0x10c: {  	v20 =	vshll.u32 v20, $0x7;
	[dreg:$0x10] =	wrdreg s12;
	v43 =	vld.idx.msk [tilespmem:v61+s2+$0x0], $0xffff;
	[tilespmem:s7+$0x180] =	vst v22;
	v22 =	vor.u32 $0xE, v39  }
0x10d: {  	v45 =	vor.u32 $0xD, v8;
	v8 =	vmov v20;
	v41 =	vor.u32 $0x4, v0;
	s23 =	smov.u32 s3;
	v20 =	vld.idx.msk [tilespmem:v62+s2+$0x0], $0xffff;
	s3 =	rddreg [dreg:$0x12]  }
0x10e: {  	v57 =	vor.u32 $0xC, v10;
	v44 =	vor.u32 $0xD, v10;
	v10 =	vmovc v21;
	v21 =	vor.u32 $0xC, v1;
	[tilespmem:s20+$0x0] =	vst v60;
	s20 =	sld [smem:$0x7E9];
	v40 =	vld.idx.msk [tilespmem:v58+s2+$0x0], $0xffff  }
0x10f: {  	v23 =	vmin.u32 v42, $0x2;
	v46 =	vor.u32 $0x6, v15;
	s12 =	smov.u32 s8;
	s19 =	rddreg [dreg:$0x14];
	[tilespmem:s3+$0x0] =	vst v18;
	v42 =	vld.idx.msk [tilespmem:v59+s2+$0x0], $0xffff  }
0x110: {  	[dreg:$0x12] =	wrdreg s12;
	s12 =	sor.u32 $0x280, s6;
	[tilespmem:s1+$0x180] =	vst v63  }
0x111: {  	[dreg:$0x16] =	wrdreg s23;
	s23 =	smov.u32 s20;
	v18 =	vld.idx.msk [tilespmem:v22+s2+$0x0], $0xffff;
	[tilespmem:s12+$0x1000] =	vst v43  }
0x112: {  	v47 =	vor.u32 $0x6, v14;
	s1 =	sadd.s32 $0x20, s4;
	[dreg:$0x14] =	wrdreg s23;
	v22 =	vld.idx.msk [tilespmem:v41+s2+$0x0], $0xffff;
	[tilespmem:s14+$0x0] =	vst v20  }
0x113: {  	v48 =	vor.u32 $0xF, v39;
	v21 =	vld.idx.msk [tilespmem:v21+s2+$0x0], $0xffff;
	s23 =	sld [smem:$0x7EB];
	s13 =	sor.u32 $0x200, s1;
	[tilespmem:s19+$0x0] =	vst v40  }
0x114: {  	v50 =	vor.u32 $0x5, v0;
	v52 =	vld.idx.msk [tilespmem:v46+s2+$0x0], $0xffff;
	s19 =	sld [smem:$0x7EA];
	[tilespmem:s13+$0x1000] =	vst v42;
	s13 =	sor.u32 $0x280, s5  }
0x115: {  	v55 =	vor.u32 $0xD, v1;
	s8 =	sld [smem:$0x7EC];
	v20 =	vld.idx.msk [tilespmem:v57+s2+$0x0], $0xffff;
	[tilespmem:s13+$0x1000] =	vst v27  }
0x116: {  	v16 =	vshll.u32 v16, $0x7;
	v15 =	vor.u32 $0x7, v15;
	s3 =	rddreg [dreg:$0x17];
	s20 =	sor.u32 $0x200, s4;
	v49 =	vld.idx.msk [tilespmem:v45+s2+$0x0], $0xffff;
	[tilespmem:s23+$0x0] =	vst v18  }
0x117: {  	v1 =	vmov v16;
	v53 =	vor.u32 $0x5, v13;
	s14 =	smov.u32 s19;
	v16 =	vld.idx.msk [tilespmem:v47+s2+$0x0], $0xffff;
	s19 =	rddreg [dreg:$0x15];
	[tilespmem:s20+$0x1000] =	vst v22  }
0x118: {  	s12 =	sor.u32 $0x300, s6;
	v57 =	vor.u32 $0xE, v9;
	[tilespmem:s19+$0x0] =	vst v21;
	s20 =	sld [smem:$0x7ED];
	v18 =	vld.idx.msk [tilespmem:v48+s2+$0x0], $0xffff  }
0x119: {  	s13 =	smov.u32 s10;
	s10 =	smov.u32 s8;
	v22 =	vld.idx.msk [tilespmem:v50+s2+$0x0], $0xffff;
	[tilespmem:s12+$0x1000] =	vst v52;
	s12 =	sld [smem:$0x7EE]  }
0x11a: {  	v14 =	vor.u32 $0x7, v14;
	[dreg:$0x17] =	wrdreg s10;
	v58 =	vld.idx.msk [tilespmem:v55+s2+$0x0], $0xffff  }
0x11b: {  	v21 =	vor.u32 $0x6, v0;
	s19 =	sld [smem:$0x7EF];
	v15 =	vld.idx.msk [tilespmem:v15+s2+$0x0], $0xffff;
	[tilespmem:s3+$0x0] =	vst v49;
	s23 =	smov.u32 s20  }
0x11c: {  	s10 =	sor.u32 $0x300, s5;
	v56 =	vld.idx.msk [tilespmem:v53+s2+$0x0], $0xffff;
	[dreg:$0x15] =	wrdreg s23;
	[tilespmem:s12+$0x0] =	vst v20  }
0x11d: {  	s20 =	sor.u32 $0x280, s4;
	[tilespmem:s10+$0x1000] =	vst v16;
	v20 =	vor.u32 $0xE, v5;
	s23 =	sld [smem:$0x7F0];
	v25 =	vld.idx.msk [tilespmem:v57+s2+$0x0], $0xffff  }
0x11e: {  	v60 =	vor.u32 $0x8, v4;
	s8 =	smov.u32 s19;
	s19 =	rddreg [dreg:$0x18];
	v16 =	vld.idx.msk [tilespmem:v44+s2+$0x0], $0xffff;
	[tilespmem:s20+$0x1000] =	vst v22  }
0x11f: {  	v7 =	vmov v30;
	v59 =	vor.u32 $0x6, v13;
	v61 =	vld.idx.msk [tilespmem:v14+s2+$0x0], $0xffff;
	[tilespmem:s19+$0x0] =	vst v58;
	s20 =	sld [smem:$0x7F1]  }
0x120: {  	s21 =	sld [smem:$0x7E2];
	s12 =	sor.u32 $0x380, s6;
	[tilespmem:s23+$0x0] =	vst v18;
	v62 =	vld.idx.msk [tilespmem:v21+s2+$0x0], $0xffff;
	v21 =	vor.u32 $0x8, v7  }
0x121: {  	v51 =	vshll.u32 v6, $0x7;
	v63 =	vor.u32 $0xF, v9;
	s10 =	smov.u32 s9;
	s9 =	sor.u32 $0x280, s1;
	[tilespmem:s12+$0x1000] =	vst v15;
	s12 =	sld [smem:$0x7F4]  }
0x122: {  	v19 =	vadd.s32 $0x1, v19;
	v54 =	vor.u32 $0xE, v51;
	[tilespmem:s9+$0x1000] =	vst v56;
	s23 =	smov.u32 s20;
	v14 =	vld.idx.msk [tilespmem:v20+s2+$0x0], $0xffff;
	s9 =	sld [smem:$0x7F3]  }
.Ltmp0:
0x123: {  	vm13 =	vgt.s32 v19, $0x0;
	vm14 =	vgt.s32 v17, $0x0;
	s6 =	sor.u32 $0x380, s5;
	v20 =	vld.idx.msk [tilespmem:v60+s2+$0x0], $0xffff;
	[dreg:$0x18] =	wrdreg s23;
	(pc) =	sbr.rel @p1 .LBB2_2-.Ltmp0, $4  }
0x124: {  	s24 =	sadd.s32 $0x40, s24;
	v19 =	vnsel vm13, $0x0, v19;
	v17 =	vnsel vm14, $0x0, v17;
	v18 =	vld.idx.msk [tilespmem:v59+s2+$0x0], $0xffff;
	[tilespmem:s6+$0x1000] =	vst v61;
	s23 =	rddreg [dreg:$0x1f]  }
0x125: {  	s26 =	sadd.s32 $0x40, s26;
	s25 =	sadd.s32 $0x40, s25;
	v19 =	vmin.u32 v19, $0x2;
	v17 =	vmin.u32 v17, $0x2;
	s11 =	sld [smem:$0x7E5];
	[tilespmem:s23+$0x0] =	vst v25;
	v21 =	vld.idx.msk [tilespmem:v21+s2+$0x0], $0xffff  }
0x126: {  	v11 =	vmovc v24;
	v17 =	vshll.u32 v17, $0x7;
	v23 =	vshll.u32 v23, $0x7;
	s7 =	rddreg [dreg:$0x1c];
	s0 =	sor.u32 $0x300, s1;
	v22 =	vor.u32 $0x7, v13;
	s20 =	sor.u32 $0x300, s4;
	[tilespmem:s9+$0x0] =	vst v16;
	v13 =	vld.idx.msk [tilespmem:v63+s2+$0x0], $0xffff  }
0x127: {  	v6 =	vmovc v19;
	v19 =	vor.u32 $0xF, v51;
	v9 =	vmovc v23;
	s5 =	sld [smem:$0x7F2];
	s4 =	smov.u32 s22;
	s19 =	smov.u32 s12;
	v16 =	vor.u32 $0xF, v5;
	v5 =	vmov v17;
	v15 =	vld.idx.msk [tilespmem:v54+s2+$0x0], $0xffff;
	[tilespmem:s20+$0x1000] =	vst v62  }
0x128: {  	_ = 	snop  }
0x129: {  	v0 =	vor.u32 $0x7, v0;
	_ =	sdelay $0x1  }
0x12a: {  	[tilespmem:s0+$0x1000] =	vst v18  }
0x12b: {  	v17 =	vld.idx.msk [tilespmem:v22+s2+$0x0], $0xffff  }
0x12c: {  	v59 =	vor.u32 $0x8, v3  }
0x12d: {  	v0 =	vld.idx.msk [tilespmem:v0+s2+$0x0], $0xffff;
	_ =	sdelay $0x1  }
0x12e: {  	s25 =	sor.u32 $0x380, s1  }
0x12f: {  	v60 =	vor.u32 $0x8, v2;
	[tilespmem:s25+$0x1000] =	vst v17  }
0x130: {  	s26 =	sor.u32 $0x380, s11;
	v18 =	vld.idx.msk [tilespmem:v59+s2+$0x0], $0xffff  }
0x131: {  	v61 =	vor.u32 $0x9, v4;
	[tilespmem:s26+$0x1000] =	vst v0  }
0x132: {  	s0 =	rddreg [dreg:$0x1a]  }
0x133: {  	v62 =	vor.u32 $0x9, v3;
	[tilespmem:s0+$0x0] =	vst v20  }
0x134: {  	v23 =	vor.u32 $0x9, v7;
	v22 =	vld.idx.msk [tilespmem:v60+s2+$0x0], $0xffff;
	s0 =	rddreg [dreg:$0x19]  }
0x135: {  	[tilespmem:s0+$0x0] =	vst v18  }
0x136: {  	v17 =	vld.idx.msk [tilespmem:v61+s2+$0x0], $0xffff;
	s0 =	rddreg [dreg:$0x1b]  }
0x137: {  	[tilespmem:s0+$0x0] =	vst v21  }
0x138: {  	v24 =	vor.u32 $0x9, v2;
	v0 =	vld.idx.msk [tilespmem:v62+s2+$0x0], $0xffff;
	s0 =	rddreg [dreg:$0xa]  }
0x139: {  	v28 =	vld.idx.msk [tilespmem:v23+s2+$0x0], $0xffff;
	[tilespmem:s0+$0x0] =	vst v22  }
0x13a: {  	v63 =	vor.u32 $0xA, v4;
	s0 =	rddreg [dreg:$0xc]  }
0x13b: {  	[tilespmem:s0+$0x0] =	vst v17  }
0x13c: {  	v29 =	vor.u32 $0xA, v3;
	s0 =	rddreg [dreg:$0xe]  }
0x13d: {  	v22 =	vld.idx.msk [tilespmem:v24+s2+$0x0], $0xffff;
	[tilespmem:s0+$0x0] =	vst v0  }
0x13e: {  	v30 =	vor.u32 $0xA, v7;
	[tilespmem:s17+$0x0] =	vst v28  }
0x13f: {  	v31 =	vor.u32 $0xA, v2;
	v32 =	vld.idx.msk [tilespmem:v63+s2+$0x0], $0xffff;
	s0 =	sld [smem:$0x7F6];
	_ =	sdelay $0x1  }
0x140: {  	v33 =	vor.u32 $0xB, v4;
	v34 =	vld.idx.msk [tilespmem:v29+s2+$0x0], $0xffff  }
0x141: {  	[tilespmem:s0+$0x0] =	vst v22  }
0x142: {  	v35 =	vor.u32 $0xB, v3;
	v36 =	vld.idx.msk [tilespmem:v30+s2+$0x0], $0xffff;
	s0 =	rddreg [dreg:$0xd]  }
0x143: {  	v37 =	vld.idx.msk [tilespmem:v31+s2+$0x0], $0xffff;
	[tilespmem:s0+$0x0] =	vst v32  }
0x144: {  	v38 =	vor.u32 $0xB, v7;
	s0 =	rddreg [dreg:$0xb]  }
0x145: {  	v39 =	vor.u32 $0xB, v2;
	v0 =	vld.idx.msk [tilespmem:v33+s2+$0x0], $0xffff;
	[tilespmem:s0+$0x0] =	vst v34  }
0x146: {  	s0 =	rddreg [dreg:$0xf]  }
0x147: {  	v40 =	vor.u32 $0xC, v12;
	v3 =	vld.idx.msk [tilespmem:v35+s2+$0x0], $0xffff;
	[tilespmem:s0+$0x0] =	vst v36  }
0x148: {  	[tilespmem:s15+$0x0] =	vst v37  }
0x149: {  	v41 =	vor.u32 $0xC, v8;
	v7 =	vld.idx.msk [tilespmem:v38+s2+$0x0], $0xffff;
	s0 =	rddreg [dreg:$0x11]  }
0x14a: {  	v2 =	vld.idx.msk [tilespmem:v39+s2+$0x0], $0xffff;
	[tilespmem:s0+$0x0] =	vst v0  }
0x14b: {  	v42 =	vor.u32 $0xC, v1;
	s0 =	rddreg [dreg:$0x10]  }
0x14c: {  	v43 =	vor.u32 $0xC, v10;
	v0 =	vld.idx.msk [tilespmem:v40+s2+$0x0], $0xffff;
	[tilespmem:s0+$0x0] =	vst v3  }
0x14d: {  	s0 =	rddreg [dreg:$0x12]  }
0x14e: {  	v45 =	vld.idx.msk [tilespmem:v41+s2+$0x0], $0xffff;
	[tilespmem:s0+$0x0] =	vst v7  }
0x14f: {  	[tilespmem:s14+$0x0] =	vst v2  }
0x150: {  	v44 =	vor.u32 $0xD, v12;
	v7 =	vld.idx.msk [tilespmem:v42+s2+$0x0], $0xffff;
	s0 =	rddreg [dreg:$0x13]  }
0x151: {  	v47 =	vld.idx.msk [tilespmem:v43+s2+$0x0], $0xffff;
	[tilespmem:s0+$0x0] =	vst v0  }
0x152: {  	v46 =	vor.u32 $0xD, v8;
	s0 =	rddreg [dreg:$0x14]  }
0x153: {  	v49 =	vor.u32 $0xD, v10;
	[tilespmem:s0+$0x0] =	vst v45  }
0x154: {  	v48 =	vor.u32 $0xD, v1;
	s0 =	rddreg [dreg:$0x15]  }
0x155: {  	v0 =	vld.idx.msk [tilespmem:v44+s2+$0x0], $0xffff;
	[tilespmem:s0+$0x0] =	vst v7  }
0x156: {  	v50 =	vshll.u32 v11, $0x7;
	[tilespmem:s8+$0x0] =	vst v47  }
0x157: {  	v51 =	vor.u32 $0xE, v50;
	v2 =	vld.idx.msk [tilespmem:v46+s2+$0x0], $0xffff;
	s0 =	rddreg [dreg:$0x9]  }
0x158: {  	v8 =	vld.idx.msk [tilespmem:v49+s2+$0x0], $0xffff;
	[tilespmem:s0+$0x0] =	vst v14  }
0x159: {  	v52 =	vor.u32 $0xE, v9;
	v1 =	vld.idx.msk [tilespmem:v48+s2+$0x0], $0xffff;
	s0 =	rddreg [dreg:$0x16]  }
0x15a: {  	v53 =	vor.u32 $0xE, v5;
	[tilespmem:s0+$0x0] =	vst v0  }
0x15b: {  	v6 =	vshll.u32 v6, $0x7;
	s0 =	rddreg [dreg:$0x17]  }
0x15c: {  	v54 =	vor.u32 $0xE, v6;
	v0 =	vld.idx.msk [tilespmem:v51+s2+$0x0], $0xffff;
	[tilespmem:s0+$0x0] =	vst v2  }
0x15d: {  	s0 =	rddreg [dreg:$0x18];
	[tilespmem:s19+$0x0] =	vst v8  }
0x15e: {  	v55 =	vor.u32 $0xF, v50;
	v2 =	vld.idx.msk [tilespmem:v52+s2+$0x0], $0xffff;
	[tilespmem:s0+$0x0] =	vst v1  }
0x15f: {  	v56 =	vor.u32 $0xF, v9;
	v57 =	vld.idx.msk [tilespmem:v53+s2+$0x0], $0xffff;
	s0 =	rddreg [dreg:$0x7]  }
0x160: {  	v60 =	vld.idx.msk [tilespmem:v16+s2+$0x0], $0xffff;
	[tilespmem:s0+$0x0] =	vst v15  }
0x161: {  	v59 =	vor.u32 $0xF, v5;
	v58 =	vld.idx.msk [tilespmem:v54+s2+$0x0], $0xffff;
	s0 =	rddreg [dreg:$0x8];
	[tilespmem:s13+$0x0] =	vst v0  }
0x162: {  	v6 =	vor.u32 $0xF, v6;
	v61 =	vld.idx.msk [tilespmem:v19+s2+$0x0], $0xffff;
	[tilespmem:s0+$0x0] =	vst v13  }
0x163: {  	[tilespmem:s4+$0x0] =	vst v2;
	v1 =	vld.idx.msk [tilespmem:v55+s2+$0x0], $0xffff  }
0x164: {  	v2 =	vld.idx.msk [tilespmem:v56+s2+$0x0], $0xffff;
	[tilespmem:s28+$0x0] =	vst v57  }
0x165: {  	s0 =	rddreg [dreg:$0x1d];
	[tilespmem:s21+$0x0] =	vst v60  }
0x166: {  	v62 =	vld.idx.msk [tilespmem:v59+s2+$0x0], $0xffff;
	[tilespmem:s0+$0x0] =	vst v58  }
0x167: {  	[tilespmem:s5+$0x0] =	vst v61;
	v63 =	vld.idx.msk [tilespmem:v6+s2+$0x0], $0xffff  }
0x168: {  	[tilespmem:s10+$0x0] =	vst v1  }
0x169: {  	[tilespmem:s30+$0x0] =	vst v2  }
0x16a: {  	s0 =	rddreg [dreg:$0x1e]  }
0x16b: {  	[tilespmem:s0+$0x0] =	vst v62  }
0x16c: {  	[tilespmem:s16+$0x0] =	vst v63  }
0x16d: {  	s0 =	sld [smem:$0x7FC];
	_ =	sdelay $0x1  }
0x16e: {  	s29 =	simm.s32 $0x20000;
	s3 =	simm.s32 $0x1000  }
0x16f: {  	[hbm4b:s0+s3] =	stream.strided.scatter [tilespmem:s3], [sflag:$0x1], $0x2000, s29, s3, $0x38;
	[tilespmem:$0x3000] =	vst v63  }
0x170: {  	s3 =	simm.s32 $0x1  }
0x171: {  	_ =	swait.ge [sflag:s3], $0x2000  }
0x172: {  	s30 =	sld [smem:$0x7F5]  }
0x173: {  	s31 =	sld [smem:$0x7FD];
	_ =	sdelay $0x1  }
0x174: {  	s1 =	sadd.s32 $0x1, s30  }
0x175: {  	p0 =	sne.s32 s1, s31  }
.Ltmp1:
0x176: {  	_ = 	snop;
	(pc) =	sbr.rel @p0 .LBB2_1-.Ltmp1, $3  }
0x177: {  	_ =	sdelay $0x1  }
0x178: {  	[sflag:s3] =	ssyncset.done $0x0  }
0x179: {  	[sflag:s3] =	ssyncadd.s32 $0xFFFFE000  }
0x17a: {  	_ =	sfence.sel $0x180000  }
0x17b: {  	[bflag:$0x0] =	sbarrier.arrive $0xFFFF  }
0x17c: {  	_ =	strace $0x90000047  }
0x17d: {  	s0 =	stileid.u32;
	[bflag:$0x2] =	sbarrier.arrive $0xFFFF  }
0x17e: {  	p0 =	sne.s32 s0, $0x0;
	s0 =	rddreg [dreg:$0x6]  }
0x17f: {  	s0 =	sadd.s32 @!p0 $0x100000, s0  }
0x180: {  	[sflag:s0] =	ssyncadd.tile.s32 @!p0 $0x1;
	_ =	shalt  }
.Lfunc_end2:
_tile_overlayer_lowered:
.L_overlay_start_2:
0x181: {  	(tag) =	ssettag $0x2  }
0x182: {  	s0 =	rddreg [dreg:$0x0];
	s2 =	stileid.u32  }
0x183: {  	s1 =	rddreg [dreg:$0x1];
	p0 =	sne.s32 s2, $0x0  }
0x184: {  	s3 =	rddreg [dreg:$0x2];
	[bflag:$0x3] =	sbarrier.arrive $0xFFFF;
	s2 =	simm.s32 @!p0 $0x1C01  }
0x185: {  	[timem:s3], [sflag:s2] =	dma.local @!p0 [hbm:s0], s1  }
0x186: {  	s0 =	simm.s32 @!p0 $0x1  }
0x187: {  	_ =	swait.ge @!p0 [sflag:s0], s1  }
0x188: {  	s1 =	ssub.s32 @!p0 $0x0, s1;
	[sflag:s0] =	ssyncset.done @!p0 $0x0  }
0x189: {  	[sflag:s0] =	ssyncadd.s32 @!p0 s1  }
0x18a: {  	[bflag:$0x3] =	sbarrier.arrive $0xFFFF  }
0x18b: {  	_ =	shalt  }

</sc_bundles>
